<compile_context>
chip_gen: v7x
topology: tpu7x:2x2x1
jax: 0.10.2.dev20260603
libtpu: 0.0.44.dev20260713+nightly
codegen_flags: <defaults>
</compile_context>

<pallas_src>
import jax
import jax.numpy as jnp
from jax import lax
from jax.experimental import pallas as pl
from jax.experimental.pallas import tpu as pltpu
from jax.experimental.pallas import tpu_sc as plsc

BATCH = 4096
SEQ = 200
DIM = 64
NC, NS, L = 2, 16, 16
NW = NC * NS
BS_W = BATCH // NW
OUT_S = SEQ - 1
NB = 4


def _body(
    ws_hbm, tab_hbm, out_hbm, idx_v,
    buf0_v, buf1_v, buf2_v, buf3_v,
    gsem0, gsem1, wsem0, wsem1, wsem2, wsem3,
):
    wid = lax.axis_index("s") * NC + lax.axis_index("c")
    b0 = wid * BS_W
    pltpu.sync_copy(ws_hbm.at[:, pl.ds(b0, BS_W)], idx_v)
    bufs = (buf0_v, buf1_v, buf2_v, buf3_v)
    gsems = (gsem0, gsem1)
    wsems = (wsem0, wsem1, wsem2, wsem3)

    def drain_writes(k, count):
        for _ in range(count):
            pltpu.make_async_copy(
                bufs[k], out_hbm.at[pl.ds(0, BS_W), pl.ds(0, DIM)], wsems[k]
            ).wait()

    def start_gather(c, k):
        pltpu.async_copy(tab_hbm.at[idx_v.at[c]], bufs[k], gsems[k % 2])

    def wait_gather(k):
        pltpu.make_async_copy(
            tab_hbm.at[idx_v.at[0]], bufs[k], gsems[k % 2]
        ).wait()

    def write_col(c, k):
        @pl.when(c < OUT_S)
        def _():
            pltpu.async_copy(
                bufs[k],
                out_hbm.at[pl.ds(c * BATCH + b0, BS_W), pl.ds(0, DIM)],
                wsems[k],
            )

        @pl.when(c > 0)
        def _():
            pltpu.async_copy(
                bufs[k],
                out_hbm.at[pl.ds((c - 1) * BATCH + b0, BS_W), pl.ds(DIM, DIM)],
                wsems[k],
            )

    start_gather(0, 0)

    def step(t, carry):
        for k in range(NB):
            c = NB * t + k
            nk = (k + 1) % NB

            @pl.when(c + 1 < SEQ)
            def _():
                @pl.when(c - 3 == 0)
                def _():
                    drain_writes(nk, 1)

                @pl.when(c - 3 >= 1)
                def _():
                    drain_writes(nk, 2)

                start_gather(c + 1, nk)

            wait_gather(k)
            write_col(c, k)
        return carry

    lax.fori_loop(0, SEQ // NB, step, 0)
    drain_writes(0, 2)
    drain_writes(1, 2)
    drain_writes(2, 2)
    drain_writes(3, 1)


@jax.jit
def kernel(whitespace, embed_table):
    ws_t = whitespace.T.astype(jnp.int32) * 2
    tab_p = jnp.concatenate(
        [embed_table, jnp.zeros(embed_table.shape, embed_table.dtype)], axis=1
    ).reshape(2 * embed_table.shape[0], embed_table.shape[1])
    mesh = plsc.VectorSubcoreMesh(
        core_axis_name="c", subcore_axis_name="s", num_cores=NC, num_subcores=NS
    )
    out = pl.kernel(
        _body,
        out_type=jax.ShapeDtypeStruct((OUT_S * BATCH, 2 * DIM), jnp.float32),
        mesh=mesh,
        compiler_params=pltpu.CompilerParams(use_tc_tiling_on_sc=False),
        scratch_types=[
            pltpu.VMEM((SEQ, BS_W), jnp.int32),
            pltpu.VMEM((BS_W, DIM), jnp.float32),
            pltpu.VMEM((BS_W, DIM), jnp.float32),
            pltpu.VMEM((BS_W, DIM), jnp.float32),
            pltpu.VMEM((BS_W, DIM), jnp.float32),
            pltpu.SemaphoreType.DMA,
            pltpu.SemaphoreType.DMA,
            pltpu.SemaphoreType.DMA,
            pltpu.SemaphoreType.DMA,
            pltpu.SemaphoreType.DMA,
            pltpu.SemaphoreType.DMA,
        ],
    )(ws_t, tab_p)
    return out.reshape(OUT_S, BATCH, 2 * DIM).transpose(1, 0, 2)

# --- scband reference (transcript-rebuilt; emitter-appended) ---
"""Pipeline reference for scband-text-field-embedder-whitespace-24790551232699 (READ-ONLY COPY).

The authoritative reference and input builder live on the scoring server;
editing this copy changes nothing except your own understanding.
"""

import jax, jax.numpy as jnp
import numpy as np

VOCAB = 1000000
DIM = 64
BATCH = 4096
SEQ = 200


def setup_inputs(seed: int = 0) -> dict:
    key = jax.random.key(seed)
    k_idx, k_emb = jax.random.split(key)
    whitespace = jax.random.randint(k_idx, (BATCH, SEQ), 0, VOCAB, dtype=jnp.int64 if jax.config.jax_enable_x64 else jnp.int32)
    embed_table = jax.random.normal(k_emb, (VOCAB, DIM), dtype=jnp.float32) * 0.02
    return {"whitespace": whitespace, "embed_table": embed_table}


def reference(whitespace, embed_table):
    # emb = self.embed(inputs)
    emb = jnp.take(embed_table, whitespace, axis=0)  # [B, S, D]
    # left / right shifted views concatenated on feature dim
    left = emb[:, :-1, :]
    right = emb[:, 1:, :]
    output = jnp.concatenate((left, right), axis=-1)  # [B, S-1, 2D]
    # dropout p=0.0 (eval mode) -> identity
    return output

if __name__ == "__main__":
    import jax
    _d = setup_inputs()
    print(jax.jit(kernel)(*tuple(_d.values())))

</pallas_src>

<mosaic_0001>
#map = affine_map<(d0, d1) -> (0, 0)>
module attributes {stable_mosaic.version = 14 : i64} {
  func.func @_body(%arg0: i32, %arg1: i32, %arg2: memref<200x4096xi32, #tpu.memory_space<hbm>>, %arg3: memref<2000000x64xf32, #tpu.memory_space<hbm>>, %arg4: memref<815104x128xf32, #tpu.memory_space<hbm>>, %arg5: memref<200x128xi32, #tpu.memory_space<vmem>>, %arg6: memref<128x64xf32, #tpu.memory_space<vmem>>, %arg7: memref<128x64xf32, #tpu.memory_space<vmem>>, %arg8: memref<128x64xf32, #tpu.memory_space<vmem>>, %arg9: memref<128x64xf32, #tpu.memory_space<vmem>>, %arg10: memref<!tpu.dma_semaphore, #tpu.memory_space<semaphore_mem>>, %arg11: memref<!tpu.dma_semaphore, #tpu.memory_space<semaphore_mem>>, %arg12: memref<!tpu.dma_semaphore, #tpu.memory_space<semaphore_mem>>, %arg13: memref<!tpu.dma_semaphore, #tpu.memory_space<semaphore_mem>>, %arg14: memref<!tpu.dma_semaphore, #tpu.memory_space<semaphore_mem>>, %arg15: memref<!tpu.dma_semaphore, #tpu.memory_space<semaphore_mem>>) attributes {dimension_semantics = [#tpu.dimension_semantics<core_parallel>, #tpu.dimension_semantics<subcore_parallel>], iteration_bounds = array<i64: 2, 16>, scalar_prefetch = 0 : i64, scratch_operands = 11 : i64, tpu.core_type = #tpu.core_type<sc_vector_subcore>, window_params = [{transform_indices = #map}, {transform_indices = #map}, {transform_indices = #map}]} {
    %mul3A = arith.constant 2 : i32
    %mul3A_0 = arith.muli %arg1, %mul3A : i32
    %add3A = arith.addi %mul3A_0, %arg0 : i32
    %mul3A_1 = arith.constant 128 : i32
    %mul3A_2 = arith.muli %add3A, %mul3A_1 : i32
    "tpu.region"() ({
      %run_scoped3A = tpu.sem_alloc : memref<!tpu.dma_semaphore, #tpu.memory_space<semaphore_mem>>
      %dma_start3A_55 = arith.constant 0 : i32
      %dma_start3A_56 = tpu.memref_slice %arg2[%dma_start3A_55, %mul3A_2] : memref<200x4096xi32, #tpu.memory_space<hbm>> -> memref<200x128xi32, #tpu.memory_space<hbm>>
      %dma_start3A_57 = arith.constant 0 : i32
      %dma_start3A_58 = tpu.memref_slice %arg2[%dma_start3A_57, %mul3A_2] : memref<200x4096xi32, #tpu.memory_space<hbm>> -> memref<200x128xi32, #tpu.memory_space<hbm>>
      tpu.enqueue_dma source(%dma_start3A_58 : memref<200x128xi32, #tpu.memory_space<hbm>>) target(%arg5 : memref<200x128xi32, #tpu.memory_space<vmem>>) target_semaphore(%run_scoped3A : memref<!tpu.dma_semaphore, #tpu.memory_space<semaphore_mem>>)
      %dma_wait3A_59 = arith.constant 0 : i32
      %dma_wait3A_60 = tpu.memref_slice %arg2[%dma_wait3A_59, %mul3A_2] : memref<200x4096xi32, #tpu.memory_space<hbm>> -> memref<200x128xi32, #tpu.memory_space<hbm>>
      %dma_wait3A_61 = arith.constant 0 : i32
      %dma_wait3A_62 = tpu.memref_slice %arg2[%dma_wait3A_61, %mul3A_2] : memref<200x4096xi32, #tpu.memory_space<hbm>> -> memref<200x128xi32, #tpu.memory_space<hbm>>
      tpu.wait_dma2 semaphore(%run_scoped3A : memref<!tpu.dma_semaphore, #tpu.memory_space<semaphore_mem>>) src(%dma_wait3A_62 : memref<200x128xi32, #tpu.memory_space<hbm>>) dst(%arg5 : memref<200x128xi32, #tpu.memory_space<vmem>>)
      tpu.yield
    }) : () -> ()
    %dma_start3A = arith.constant 0 : i32
    %dma_start3A_3 = arith.constant 0 : i32
    %dma_start3A_4 = tpu.memref_slice %arg5[%dma_start3A, %dma_start3A_3] : memref<200x128xi32, #tpu.memory_space<vmem>> -> memref<1x128xi32, #tpu.memory_space<vmem>>
    %dma_start3A_5 = tpu.memref_squeeze %dma_start3A_4 : memref<1x128xi32, #tpu.memory_space<vmem>> -> memref<128xi32, #tpu.memory_space<vmem>>
    %dma_start3A_6 = arith.constant 0 : i32
    %dma_start3A_7 = arith.constant 0 : i32
    %dma_start3A_8 = tpu.memref_slice %arg3[%dma_start3A_6, %dma_start3A_7] : memref<2000000x64xf32, #tpu.memory_space<hbm>> -> memref<2000000x64xf32, #tpu.memory_space<hbm>>
    tpu.enqueue_indirect_dma source(%dma_start3A_8 : memref<2000000x64xf32, #tpu.memory_space<hbm>>) target(%arg6 : memref<128x64xf32, #tpu.memory_space<vmem>>) offsets(%dma_start3A_5 : memref<128xi32, #tpu.memory_space<vmem>>) semaphore(%arg10 : memref<!tpu.dma_semaphore, #tpu.memory_space<semaphore_mem>>)
    %scan3A = arith.constant 0 : i32
    %scan3A_9 = arith.constant 0 : i32
    %scan3A_10 = arith.constant 50 : i32
    %scan3A_11 = arith.addi %scan3A_9, %scan3A_10 : i32
    %scan3A_12 = arith.constant 1 : i32
    scf.for %scan3A_55 = %scan3A_9 to %scan3A_11 step %scan3A_12  : i32 {
      %mul3A_56 = arith.constant 4 : i32
      %mul3A_57 = arith.muli %mul3A_56, %scan3A_55 : i32
      %add3A_58 = arith.constant 0 : i32
      %add3A_59 = arith.addi %mul3A_57, %add3A_58 : i32
      %add3A_60 = arith.constant 1 : i32
      %add3A_61 = arith.addi %add3A_59, %add3A_60 : i32
      %lt3A = arith.constant 200 : i32
      %lt3A_62 = arith.cmpi slt, %add3A_61, %lt3A : i32
      %convert_element_type3A = arith.extui %lt3A_62 : i1 to i32
      %cond3A = arith.constant 0 : i32
      %cond3A_63 = arith.cmpi ne, %convert_element_type3A, %cond3A : i32
      scf.if %cond3A_63 {
        %sub3A = arith.constant 3 : i32
        %sub3A_164 = arith.subi %add3A_59, %sub3A : i32
        %eq3A = arith.constant 0 : i32
        %eq3A_165 = arith.cmpi eq, %sub3A_164, %eq3A : i32
        %convert_element_type3A_166 = arith.extui %eq3A_165 : i1 to i32
        %cond3A_167 = arith.constant 0 : i32
        %cond3A_168 = arith.cmpi ne, %convert_element_type3A_166, %cond3A_167 : i32
        scf.if %cond3A_168 {
          %dma_wait3A_183 = arith.constant 0 : i32
          %dma_wait3A_184 = arith.constant 0 : i32
          %dma_wait3A_185 = tpu.memref_slice %arg4[%dma_wait3A_183, %dma_wait3A_184] : memref<815104x128xf32, #tpu.memory_space<hbm>> -> memref<128x64xf32, #tpu.memory_space<hbm>>
          %dma_wait3A_186 = arith.constant 0 : i32
          %dma_wait3A_187 = arith.constant 0 : i32
          %dma_wait3A_188 = tpu.memref_slice %arg4[%dma_wait3A_186, %dma_wait3A_187] : memref<815104x128xf32, #tpu.memory_space<hbm>> -> memref<128x64xf32, #tpu.memory_space<hbm>>
          tpu.wait_dma2 semaphore(%arg13 : memref<!tpu.dma_semaphore, #tpu.memory_space<semaphore_mem>>) src(%arg7 : memref<128x64xf32, #tpu.memory_space<vmem>>) dst(%dma_wait3A_188 : memref<128x64xf32, #tpu.memory_space<hbm>>)
        } else {
        }
        %sub3A_169 = arith.constant 3 : i32
        %sub3A_170 = arith.subi %add3A_59, %sub3A_169 : i32
        %ge3A = arith.constant 1 : i32
        %ge3A_171 = arith.cmpi sge, %sub3A_170, %ge3A : i32
        %convert_element_type3A_172 = arith.extui %ge3A_171 : i1 to i32
        %cond3A_173 = arith.constant 0 : i32
        %cond3A_174 = arith.cmpi ne, %convert_element_type3A_172, %cond3A_173 : i32
        scf.if %cond3A_174 {
          %dma_wait3A_183 = arith.constant 0 : i32
          %dma_wait3A_184 = arith.constant 0 : i32
          %dma_wait3A_185 = tpu.memref_slice %arg4[%dma_wait3A_183, %dma_wait3A_184] : memref<815104x128xf32, #tpu.memory_space<hbm>> -> memref<128x64xf32, #tpu.memory_space<hbm>>
          %dma_wait3A_186 = arith.constant 0 : i32
          %dma_wait3A_187 = arith.constant 0 : i32
          %dma_wait3A_188 = tpu.memref_slice %arg4[%dma_wait3A_186, %dma_wait3A_187] : memref<815104x128xf32, #tpu.memory_space<hbm>> -> memref<128x64xf32, #tpu.memory_space<hbm>>
          tpu.wait_dma2 semaphore(%arg13 : memref<!tpu.dma_semaphore, #tpu.memory_space<semaphore_mem>>) src(%arg7 : memref<128x64xf32, #tpu.memory_space<vmem>>) dst(%dma_wait3A_188 : memref<128x64xf32, #tpu.memory_space<hbm>>)
          %dma_wait3A_189 = arith.constant 0 : i32
          %dma_wait3A_190 = arith.constant 0 : i32
          %dma_wait3A_191 = tpu.memref_slice %arg4[%dma_wait3A_189, %dma_wait3A_190] : memref<815104x128xf32, #tpu.memory_space<hbm>> -> memref<128x64xf32, #tpu.memory_space<hbm>>
          %dma_wait3A_192 = arith.constant 0 : i32
          %dma_wait3A_193 = arith.constant 0 : i32
          %dma_wait3A_194 = tpu.memref_slice %arg4[%dma_wait3A_192, %dma_wait3A_193] : memref<815104x128xf32, #tpu.memory_space<hbm>> -> memref<128x64xf32, #tpu.memory_space<hbm>>
          tpu.wait_dma2 semaphore(%arg13 : memref<!tpu.dma_semaphore, #tpu.memory_space<semaphore_mem>>) src(%arg7 : memref<128x64xf32, #tpu.memory_space<vmem>>) dst(%dma_wait3A_194 : memref<128x64xf32, #tpu.memory_space<hbm>>)
        } else {
        }
        %add3A_175 = arith.constant 1 : i32
        %add3A_176 = arith.addi %add3A_59, %add3A_175 : i32
        %dma_start3A_177 = arith.constant 0 : i32
        %dma_start3A_178 = tpu.memref_slice %arg5[%add3A_176, %dma_start3A_177] : memref<200x128xi32, #tpu.memory_space<vmem>> -> memref<1x128xi32, #tpu.memory_space<vmem>>
        %dma_start3A_179 = tpu.memref_squeeze %dma_start3A_178 : memref<1x128xi32, #tpu.memory_space<vmem>> -> memref<128xi32, #tpu.memory_space<vmem>>
        %dma_start3A_180 = arith.constant 0 : i32
        %dma_start3A_181 = arith.constant 0 : i32
        %dma_start3A_182 = tpu.memref_slice %arg3[%dma_start3A_180, %dma_start3A_181] : memref<2000000x64xf32, #tpu.memory_space<hbm>> -> memref<2000000x64xf32, #tpu.memory_space<hbm>>
        tpu.enqueue_indirect_dma source(%dma_start3A_182 : memref<2000000x64xf32, #tpu.memory_space<hbm>>) target(%arg7 : memref<128x64xf32, #tpu.memory_space<vmem>>) offsets(%dma_start3A_179 : memref<128xi32, #tpu.memory_space<vmem>>) semaphore(%arg11 : memref<!tpu.dma_semaphore, #tpu.memory_space<semaphore_mem>>)
      } else {
      }
      %dma_wait3A_64 = arith.constant 0 : i32
      %dma_wait3A_65 = arith.constant 0 : i32
      %dma_wait3A_66 = tpu.memref_slice %arg5[%dma_wait3A_64, %dma_wait3A_65] : memref<200x128xi32, #tpu.memory_space<vmem>> -> memref<1x128xi32, #tpu.memory_space<vmem>>
      %dma_wait3A_67 = tpu.memref_squeeze %dma_wait3A_66 : memref<1x128xi32, #tpu.memory_space<vmem>> -> memref<128xi32, #tpu.memory_space<vmem>>
      %dma_wait3A_68 = arith.constant 0 : i32
      %dma_wait3A_69 = arith.constant 0 : i32
      %dma_wait3A_70 = tpu.memref_slice %arg3[%dma_wait3A_68, %dma_wait3A_69] : memref<2000000x64xf32, #tpu.memory_space<hbm>> -> memref<2000000x64xf32, #tpu.memory_space<hbm>>
      tpu.wait_indirect_dma semaphore(%arg10 : memref<!tpu.dma_semaphore, #tpu.memory_space<semaphore_mem>>) src(%dma_wait3A_70 : memref<2000000x64xf32, #tpu.memory_space<hbm>>) dst(%arg6 : memref<128x64xf32, #tpu.memory_space<vmem>>)
      %lt3A_71 = arith.constant 199 : i32
      %lt3A_72 = arith.cmpi slt, %add3A_59, %lt3A_71 : i32
      %convert_element_type3A_73 = arith.extui %lt3A_72 : i1 to i32
      %cond3A_74 = arith.constant 0 : i32
      %cond3A_75 = arith.cmpi ne, %convert_element_type3A_73, %cond3A_74 : i32
      scf.if %cond3A_75 {
        %mul3A_164 = arith.constant 4096 : i32
        %mul3A_165 = arith.muli %add3A_59, %mul3A_164 : i32
        %add3A_166 = arith.addi %mul3A_165, %mul3A_2 : i32
        %dma_start3A_167 = arith.constant 0 : i32
        %dma_start3A_168 = tpu.memref_slice %arg4[%add3A_166, %dma_start3A_167] : memref<815104x128xf32, #tpu.memory_space<hbm>> -> memref<128x64xf32, #tpu.memory_space<hbm>>
        %dma_start3A_169 = arith.constant 0 : i32
        %dma_start3A_170 = tpu.memref_slice %arg4[%add3A_166, %dma_start3A_169] : memref<815104x128xf32, #tpu.memory_space<hbm>> -> memref<128x64xf32, #tpu.memory_space<hbm>>
        tpu.enqueue_dma source(%arg6 : memref<128x64xf32, #tpu.memory_space<vmem>>) target(%dma_start3A_170 : memref<128x64xf32, #tpu.memory_space<hbm>>) target_semaphore(%arg12 : memref<!tpu.dma_semaphore, #tpu.memory_space<semaphore_mem>>)
      } else {
      }
      %gt3A = arith.constant 0 : i32
      %gt3A_76 = arith.cmpi sgt, %add3A_59, %gt3A : i32
      %convert_element_type3A_77 = arith.extui %gt3A_76 : i1 to i32
      %cond3A_78 = arith.constant 0 : i32
      %cond3A_79 = arith.cmpi ne, %convert_element_type3A_77, %cond3A_78 : i32
      scf.if %cond3A_79 {
        %sub3A = arith.constant 1 : i32
        %sub3A_164 = arith.subi %add3A_59, %sub3A : i32
        %mul3A_165 = arith.constant 4096 : i32
        %mul3A_166 = arith.muli %sub3A_164, %mul3A_165 : i32
        %add3A_167 = arith.addi %mul3A_166, %mul3A_2 : i32
        %dma_start3A_168 = arith.constant 64 : i32
        %dma_start3A_169 = tpu.memref_slice %arg4[%add3A_167, %dma_start3A_168] : memref<815104x128xf32, #tpu.memory_space<hbm>> -> memref<128x64xf32, #tpu.memory_space<hbm>>
        %dma_start3A_170 = arith.constant 64 : i32
        %dma_start3A_171 = tpu.memref_slice %arg4[%add3A_167, %dma_start3A_170] : memref<815104x128xf32, #tpu.memory_space<hbm>> -> memref<128x64xf32, #tpu.memory_space<hbm>>
        tpu.enqueue_dma source(%arg6 : memref<128x64xf32, #tpu.memory_space<vmem>>) target(%dma_start3A_171 : memref<128x64xf32, #tpu.memory_space<hbm>>) target_semaphore(%arg12 : memref<!tpu.dma_semaphore, #tpu.memory_space<semaphore_mem>>)
      } else {
      }
      %mul3A_80 = arith.constant 4 : i32
      %mul3A_81 = arith.muli %mul3A_80, %scan3A_55 : i32
      %add3A_82 = arith.constant 1 : i32
      %add3A_83 = arith.addi %mul3A_81, %add3A_82 : i32
      %add3A_84 = arith.constant 1 : i32
      %add3A_85 = arith.addi %add3A_83, %add3A_84 : i32
      %lt3A_86 = arith.constant 200 : i32
      %lt3A_87 = arith.cmpi slt, %add3A_85, %lt3A_86 : i32
      %convert_element_type3A_88 = arith.extui %lt3A_87 : i1 to i32
      %cond3A_89 = arith.constant 0 : i32
      %cond3A_90 = arith.cmpi ne, %convert_element_type3A_88, %cond3A_89 : i32
      scf.if %cond3A_90 {
        %sub3A = arith.constant 3 : i32
        %sub3A_164 = arith.subi %add3A_83, %sub3A : i32
        %eq3A = arith.constant 0 : i32
        %eq3A_165 = arith.cmpi eq, %sub3A_164, %eq3A : i32
        %convert_element_type3A_166 = arith.extui %eq3A_165 : i1 to i32
        %cond3A_167 = arith.constant 0 : i32
        %cond3A_168 = arith.cmpi ne, %convert_element_type3A_166, %cond3A_167 : i32
        scf.if %cond3A_168 {
          %dma_wait3A_183 = arith.constant 0 : i32
          %dma_wait3A_184 = arith.constant 0 : i32
          %dma_wait3A_185 = tpu.memref_slice %arg4[%dma_wait3A_183, %dma_wait3A_184] : memref<815104x128xf32, #tpu.memory_space<hbm>> -> memref<128x64xf32, #tpu.memory_space<hbm>>
          %dma_wait3A_186 = arith.constant 0 : i32
          %dma_wait3A_187 = arith.constant 0 : i32
          %dma_wait3A_188 = tpu.memref_slice %arg4[%dma_wait3A_186, %dma_wait3A_187] : memref<815104x128xf32, #tpu.memory_space<hbm>> -> memref<128x64xf32, #tpu.memory_space<hbm>>
          tpu.wait_dma2 semaphore(%arg14 : memref<!tpu.dma_semaphore, #tpu.memory_space<semaphore_mem>>) src(%arg8 : memref<128x64xf32, #tpu.memory_space<vmem>>) dst(%dma_wait3A_188 : memref<128x64xf32, #tpu.memory_space<hbm>>)
        } else {
        }
        %sub3A_169 = arith.constant 3 : i32
        %sub3A_170 = arith.subi %add3A_83, %sub3A_169 : i32
        %ge3A = arith.constant 1 : i32
        %ge3A_171 = arith.cmpi sge, %sub3A_170, %ge3A : i32
        %convert_element_type3A_172 = arith.extui %ge3A_171 : i1 to i32
        %cond3A_173 = arith.constant 0 : i32
        %cond3A_174 = arith.cmpi ne, %convert_element_type3A_172, %cond3A_173 : i32
        scf.if %cond3A_174 {
          %dma_wait3A_183 = arith.constant 0 : i32
          %dma_wait3A_184 = arith.constant 0 : i32
          %dma_wait3A_185 = tpu.memref_slice %arg4[%dma_wait3A_183, %dma_wait3A_184] : memref<815104x128xf32, #tpu.memory_space<hbm>> -> memref<128x64xf32, #tpu.memory_space<hbm>>
          %dma_wait3A_186 = arith.constant 0 : i32
          %dma_wait3A_187 = arith.constant 0 : i32
          %dma_wait3A_188 = tpu.memref_slice %arg4[%dma_wait3A_186, %dma_wait3A_187] : memref<815104x128xf32, #tpu.memory_space<hbm>> -> memref<128x64xf32, #tpu.memory_space<hbm>>
          tpu.wait_dma2 semaphore(%arg14 : memref<!tpu.dma_semaphore, #tpu.memory_space<semaphore_mem>>) src(%arg8 : memref<128x64xf32, #tpu.memory_space<vmem>>) dst(%dma_wait3A_188 : memref<128x64xf32, #tpu.memory_space<hbm>>)
          %dma_wait3A_189 = arith.constant 0 : i32
          %dma_wait3A_190 = arith.constant 0 : i32
          %dma_wait3A_191 = tpu.memref_slice %arg4[%dma_wait3A_189, %dma_wait3A_190] : memref<815104x128xf32, #tpu.memory_space<hbm>> -> memref<128x64xf32, #tpu.memory_space<hbm>>
          %dma_wait3A_192 = arith.constant 0 : i32
          %dma_wait3A_193 = arith.constant 0 : i32
          %dma_wait3A_194 = tpu.memref_slice %arg4[%dma_wait3A_192, %dma_wait3A_193] : memref<815104x128xf32, #tpu.memory_space<hbm>> -> memref<128x64xf32, #tpu.memory_space<hbm>>
          tpu.wait_dma2 semaphore(%arg14 : memref<!tpu.dma_semaphore, #tpu.memory_space<semaphore_mem>>) src(%arg8 : memref<128x64xf32, #tpu.memory_space<vmem>>) dst(%dma_wait3A_194 : memref<128x64xf32, #tpu.memory_space<hbm>>)
        } else {
        }
        %add3A_175 = arith.constant 1 : i32
        %add3A_176 = arith.addi %add3A_83, %add3A_175 : i32
        %dma_start3A_177 = arith.constant 0 : i32
        %dma_start3A_178 = tpu.memref_slice %arg5[%add3A_176, %dma_start3A_177] : memref<200x128xi32, #tpu.memory_space<vmem>> -> memref<1x128xi32, #tpu.memory_space<vmem>>
        %dma_start3A_179 = tpu.memref_squeeze %dma_start3A_178 : memref<1x128xi32, #tpu.memory_space<vmem>> -> memref<128xi32, #tpu.memory_space<vmem>>
        %dma_start3A_180 = arith.constant 0 : i32
        %dma_start3A_181 = arith.constant 0 : i32
        %dma_start3A_182 = tpu.memref_slice %arg3[%dma_start3A_180, %dma_start3A_181] : memref<2000000x64xf32, #tpu.memory_space<hbm>> -> memref<2000000x64xf32, #tpu.memory_space<hbm>>
        tpu.enqueue_indirect_dma source(%dma_start3A_182 : memref<2000000x64xf32, #tpu.memory_space<hbm>>) target(%arg8 : memref<128x64xf32, #tpu.memory_space<vmem>>) offsets(%dma_start3A_179 : memref<128xi32, #tpu.memory_space<vmem>>) semaphore(%arg10 : memref<!tpu.dma_semaphore, #tpu.memory_space<semaphore_mem>>)
      } else {
      }
      %dma_wait3A_91 = arith.constant 0 : i32
      %dma_wait3A_92 = arith.constant 0 : i32
      %dma_wait3A_93 = tpu.memref_slice %arg5[%dma_wait3A_91, %dma_wait3A_92] : memref<200x128xi32, #tpu.memory_space<vmem>> -> memref<1x128xi32, #tpu.memory_space<vmem>>
      %dma_wait3A_94 = tpu.memref_squeeze %dma_wait3A_93 : memref<1x128xi32, #tpu.memory_space<vmem>> -> memref<128xi32, #tpu.memory_space<vmem>>
      %dma_wait3A_95 = arith.constant 0 : i32
      %dma_wait3A_96 = arith.constant 0 : i32
      %dma_wait3A_97 = tpu.memref_slice %arg3[%dma_wait3A_95, %dma_wait3A_96] : memref<2000000x64xf32, #tpu.memory_space<hbm>> -> memref<2000000x64xf32, #tpu.memory_space<hbm>>
      tpu.wait_indirect_dma semaphore(%arg11 : memref<!tpu.dma_semaphore, #tpu.memory_space<semaphore_mem>>) src(%dma_wait3A_97 : memref<2000000x64xf32, #tpu.memory_space<hbm>>) dst(%arg7 : memref<128x64xf32, #tpu.memory_space<vmem>>)
      %lt3A_98 = arith.constant 199 : i32
      %lt3A_99 = arith.cmpi slt, %add3A_83, %lt3A_98 : i32
      %convert_element_type3A_100 = arith.extui %lt3A_99 : i1 to i32
      %cond3A_101 = arith.constant 0 : i32
      %cond3A_102 = arith.cmpi ne, %convert_element_type3A_100, %cond3A_101 : i32
      scf.if %cond3A_102 {
        %mul3A_164 = arith.constant 4096 : i32
        %mul3A_165 = arith.muli %add3A_83, %mul3A_164 : i32
        %add3A_166 = arith.addi %mul3A_165, %mul3A_2 : i32
        %dma_start3A_167 = arith.constant 0 : i32
        %dma_start3A_168 = tpu.memref_slice %arg4[%add3A_166, %dma_start3A_167] : memref<815104x128xf32, #tpu.memory_space<hbm>> -> memref<128x64xf32, #tpu.memory_space<hbm>>
        %dma_start3A_169 = arith.constant 0 : i32
        %dma_start3A_170 = tpu.memref_slice %arg4[%add3A_166, %dma_start3A_169] : memref<815104x128xf32, #tpu.memory_space<hbm>> -> memref<128x64xf32, #tpu.memory_space<hbm>>
        tpu.enqueue_dma source(%arg7 : memref<128x64xf32, #tpu.memory_space<vmem>>) target(%dma_start3A_170 : memref<128x64xf32, #tpu.memory_space<hbm>>) target_semaphore(%arg13 : memref<!tpu.dma_semaphore, #tpu.memory_space<semaphore_mem>>)
      } else {
      }
      %gt3A_103 = arith.constant 0 : i32
      %gt3A_104 = arith.cmpi sgt, %add3A_83, %gt3A_103 : i32
      %convert_element_type3A_105 = arith.extui %gt3A_104 : i1 to i32
      %cond3A_106 = arith.constant 0 : i32
      %cond3A_107 = arith.cmpi ne, %convert_element_type3A_105, %cond3A_106 : i32
      scf.if %cond3A_107 {
        %sub3A = arith.constant 1 : i32
        %sub3A_164 = arith.subi %add3A_83, %sub3A : i32
        %mul3A_165 = arith.constant 4096 : i32
        %mul3A_166 = arith.muli %sub3A_164, %mul3A_165 : i32
        %add3A_167 = arith.addi %mul3A_166, %mul3A_2 : i32
        %dma_start3A_168 = arith.constant 64 : i32
        %dma_start3A_169 = tpu.memref_slice %arg4[%add3A_167, %dma_start3A_168] : memref<815104x128xf32, #tpu.memory_space<hbm>> -> memref<128x64xf32, #tpu.memory_space<hbm>>
        %dma_start3A_170 = arith.constant 64 : i32
        %dma_start3A_171 = tpu.memref_slice %arg4[%add3A_167, %dma_start3A_170] : memref<815104x128xf32, #tpu.memory_space<hbm>> -> memref<128x64xf32, #tpu.memory_space<hbm>>
        tpu.enqueue_dma source(%arg7 : memref<128x64xf32, #tpu.memory_space<vmem>>) target(%dma_start3A_171 : memref<128x64xf32, #tpu.memory_space<hbm>>) target_semaphore(%arg13 : memref<!tpu.dma_semaphore, #tpu.memory_space<semaphore_mem>>)
      } else {
      }
      %mul3A_108 = arith.constant 4 : i32
      %mul3A_109 = arith.muli %mul3A_108, %scan3A_55 : i32
      %add3A_110 = arith.constant 2 : i32
      %add3A_111 = arith.addi %mul3A_109, %add3A_110 : i32
      %add3A_112 = arith.constant 1 : i32
      %add3A_113 = arith.addi %add3A_111, %add3A_112 : i32
      %lt3A_114 = arith.constant 200 : i32
      %lt3A_115 = arith.cmpi slt, %add3A_113, %lt3A_114 : i32
      %convert_element_type3A_116 = arith.extui %lt3A_115 : i1 to i32
      %cond3A_117 = arith.constant 0 : i32
      %cond3A_118 = arith.cmpi ne, %convert_element_type3A_116, %cond3A_117 : i32
      scf.if %cond3A_118 {
        %sub3A = arith.constant 3 : i32
        %sub3A_164 = arith.subi %add3A_111, %sub3A : i32
        %eq3A = arith.constant 0 : i32
        %eq3A_165 = arith.cmpi eq, %sub3A_164, %eq3A : i32
        %convert_element_type3A_166 = arith.extui %eq3A_165 : i1 to i32
        %cond3A_167 = arith.constant 0 : i32
        %cond3A_168 = arith.cmpi ne, %convert_element_type3A_166, %cond3A_167 : i32
        scf.if %cond3A_168 {
          %dma_wait3A_183 = arith.constant 0 : i32
          %dma_wait3A_184 = arith.constant 0 : i32
          %dma_wait3A_185 = tpu.memref_slice %arg4[%dma_wait3A_183, %dma_wait3A_184] : memref<815104x128xf32, #tpu.memory_space<hbm>> -> memref<128x64xf32, #tpu.memory_space<hbm>>
          %dma_wait3A_186 = arith.constant 0 : i32
          %dma_wait3A_187 = arith.constant 0 : i32
          %dma_wait3A_188 = tpu.memref_slice %arg4[%dma_wait3A_186, %dma_wait3A_187] : memref<815104x128xf32, #tpu.memory_space<hbm>> -> memref<128x64xf32, #tpu.memory_space<hbm>>
          tpu.wait_dma2 semaphore(%arg15 : memref<!tpu.dma_semaphore, #tpu.memory_space<semaphore_mem>>) src(%arg9 : memref<128x64xf32, #tpu.memory_space<vmem>>) dst(%dma_wait3A_188 : memref<128x64xf32, #tpu.memory_space<hbm>>)
        } else {
        }
        %sub3A_169 = arith.constant 3 : i32
        %sub3A_170 = arith.subi %add3A_111, %sub3A_169 : i32
        %ge3A = arith.constant 1 : i32
        %ge3A_171 = arith.cmpi sge, %sub3A_170, %ge3A : i32
        %convert_element_type3A_172 = arith.extui %ge3A_171 : i1 to i32
        %cond3A_173 = arith.constant 0 : i32
        %cond3A_174 = arith.cmpi ne, %convert_element_type3A_172, %cond3A_173 : i32
        scf.if %cond3A_174 {
          %dma_wait3A_183 = arith.constant 0 : i32
          %dma_wait3A_184 = arith.constant 0 : i32
          %dma_wait3A_185 = tpu.memref_slice %arg4[%dma_wait3A_183, %dma_wait3A_184] : memref<815104x128xf32, #tpu.memory_space<hbm>> -> memref<128x64xf32, #tpu.memory_space<hbm>>
          %dma_wait3A_186 = arith.constant 0 : i32
          %dma_wait3A_187 = arith.constant 0 : i32
          %dma_wait3A_188 = tpu.memref_slice %arg4[%dma_wait3A_186, %dma_wait3A_187] : memref<815104x128xf32, #tpu.memory_space<hbm>> -> memref<128x64xf32, #tpu.memory_space<hbm>>
          tpu.wait_dma2 semaphore(%arg15 : memref<!tpu.dma_semaphore, #tpu.memory_space<semaphore_mem>>) src(%arg9 : memref<128x64xf32, #tpu.memory_space<vmem>>) dst(%dma_wait3A_188 : memref<128x64xf32, #tpu.memory_space<hbm>>)
          %dma_wait3A_189 = arith.constant 0 : i32
          %dma_wait3A_190 = arith.constant 0 : i32
          %dma_wait3A_191 = tpu.memref_slice %arg4[%dma_wait3A_189, %dma_wait3A_190] : memref<815104x128xf32, #tpu.memory_space<hbm>> -> memref<128x64xf32, #tpu.memory_space<hbm>>
          %dma_wait3A_192 = arith.constant 0 : i32
          %dma_wait3A_193 = arith.constant 0 : i32
          %dma_wait3A_194 = tpu.memref_slice %arg4[%dma_wait3A_192, %dma_wait3A_193] : memref<815104x128xf32, #tpu.memory_space<hbm>> -> memref<128x64xf32, #tpu.memory_space<hbm>>
          tpu.wait_dma2 semaphore(%arg15 : memref<!tpu.dma_semaphore, #tpu.memory_space<semaphore_mem>>) src(%arg9 : memref<128x64xf32, #tpu.memory_space<vmem>>) dst(%dma_wait3A_194 : memref<128x64xf32, #tpu.memory_space<hbm>>)
        } else {
        }
        %add3A_175 = arith.constant 1 : i32
        %add3A_176 = arith.addi %add3A_111, %add3A_175 : i32
        %dma_start3A_177 = arith.constant 0 : i32
        %dma_start3A_178 = tpu.memref_slice %arg5[%add3A_176, %dma_start3A_177] : memref<200x128xi32, #tpu.memory_space<vmem>> -> memref<1x128xi32, #tpu.memory_space<vmem>>
        %dma_start3A_179 = tpu.memref_squeeze %dma_start3A_178 : memref<1x128xi32, #tpu.memory_space<vmem>> -> memref<128xi32, #tpu.memory_space<vmem>>
        %dma_start3A_180 = arith.constant 0 : i32
        %dma_start3A_181 = arith.constant 0 : i32
        %dma_start3A_182 = tpu.memref_slice %arg3[%dma_start3A_180, %dma_start3A_181] : memref<2000000x64xf32, #tpu.memory_space<hbm>> -> memref<2000000x64xf32, #tpu.memory_space<hbm>>
        tpu.enqueue_indirect_dma source(%dma_start3A_182 : memref<2000000x64xf32, #tpu.memory_space<hbm>>) target(%arg9 : memref<128x64xf32, #tpu.memory_space<vmem>>) offsets(%dma_start3A_179 : memref<128xi32, #tpu.memory_space<vmem>>) semaphore(%arg11 : memref<!tpu.dma_semaphore, #tpu.memory_space<semaphore_mem>>)
      } else {
      }
      %dma_wait3A_119 = arith.constant 0 : i32
      %dma_wait3A_120 = arith.constant 0 : i32
      %dma_wait3A_121 = tpu.memref_slice %arg5[%dma_wait3A_119, %dma_wait3A_120] : memref<200x128xi32, #tpu.memory_space<vmem>> -> memref<1x128xi32, #tpu.memory_space<vmem>>
      %dma_wait3A_122 = tpu.memref_squeeze %dma_wait3A_121 : memref<1x128xi32, #tpu.memory_space<vmem>> -> memref<128xi32, #tpu.memory_space<vmem>>
      %dma_wait3A_123 = arith.constant 0 : i32
      %dma_wait3A_124 = arith.constant 0 : i32
      %dma_wait3A_125 = tpu.memref_slice %arg3[%dma_wait3A_123, %dma_wait3A_124] : memref<2000000x64xf32, #tpu.memory_space<hbm>> -> memref<2000000x64xf32, #tpu.memory_space<hbm>>
      tpu.wait_indirect_dma semaphore(%arg10 : memref<!tpu.dma_semaphore, #tpu.memory_space<semaphore_mem>>) src(%dma_wait3A_125 : memref<2000000x64xf32, #tpu.memory_space<hbm>>) dst(%arg8 : memref<128x64xf32, #tpu.memory_space<vmem>>)
      %lt3A_126 = arith.constant 199 : i32
      %lt3A_127 = arith.cmpi slt, %add3A_111, %lt3A_126 : i32
      %convert_element_type3A_128 = arith.extui %lt3A_127 : i1 to i32
      %cond3A_129 = arith.constant 0 : i32
      %cond3A_130 = arith.cmpi ne, %convert_element_type3A_128, %cond3A_129 : i32
      scf.if %cond3A_130 {
        %mul3A_164 = arith.constant 4096 : i32
        %mul3A_165 = arith.muli %add3A_111, %mul3A_164 : i32
        %add3A_166 = arith.addi %mul3A_165, %mul3A_2 : i32
        %dma_start3A_167 = arith.constant 0 : i32
        %dma_start3A_168 = tpu.memref_slice %arg4[%add3A_166, %dma_start3A_167] : memref<815104x128xf32, #tpu.memory_space<hbm>> -> memref<128x64xf32, #tpu.memory_space<hbm>>
        %dma_start3A_169 = arith.constant 0 : i32
        %dma_start3A_170 = tpu.memref_slice %arg4[%add3A_166, %dma_start3A_169] : memref<815104x128xf32, #tpu.memory_space<hbm>> -> memref<128x64xf32, #tpu.memory_space<hbm>>
        tpu.enqueue_dma source(%arg8 : memref<128x64xf32, #tpu.memory_space<vmem>>) target(%dma_start3A_170 : memref<128x64xf32, #tpu.memory_space<hbm>>) target_semaphore(%arg14 : memref<!tpu.dma_semaphore, #tpu.memory_space<semaphore_mem>>)
      } else {
      }
      %gt3A_131 = arith.constant 0 : i32
      %gt3A_132 = arith.cmpi sgt, %add3A_111, %gt3A_131 : i32
      %convert_element_type3A_133 = arith.extui %gt3A_132 : i1 to i32
      %cond3A_134 = arith.constant 0 : i32
      %cond3A_135 = arith.cmpi ne, %convert_element_type3A_133, %cond3A_134 : i32
      scf.if %cond3A_135 {
        %sub3A = arith.constant 1 : i32
        %sub3A_164 = arith.subi %add3A_111, %sub3A : i32
        %mul3A_165 = arith.constant 4096 : i32
        %mul3A_166 = arith.muli %sub3A_164, %mul3A_165 : i32
        %add3A_167 = arith.addi %mul3A_166, %mul3A_2 : i32
        %dma_start3A_168 = arith.constant 64 : i32
        %dma_start3A_169 = tpu.memref_slice %arg4[%add3A_167, %dma_start3A_168] : memref<815104x128xf32, #tpu.memory_space<hbm>> -> memref<128x64xf32, #tpu.memory_space<hbm>>
        %dma_start3A_170 = arith.constant 64 : i32
        %dma_start3A_171 = tpu.memref_slice %arg4[%add3A_167, %dma_start3A_170] : memref<815104x128xf32, #tpu.memory_space<hbm>> -> memref<128x64xf32, #tpu.memory_space<hbm>>
        tpu.enqueue_dma source(%arg8 : memref<128x64xf32, #tpu.memory_space<vmem>>) target(%dma_start3A_171 : memref<128x64xf32, #tpu.memory_space<hbm>>) target_semaphore(%arg14 : memref<!tpu.dma_semaphore, #tpu.memory_space<semaphore_mem>>)
      } else {
      }
      %mul3A_136 = arith.constant 4 : i32
      %mul3A_137 = arith.muli %mul3A_136, %scan3A_55 : i32
      %add3A_138 = arith.constant 3 : i32
      %add3A_139 = arith.addi %mul3A_137, %add3A_138 : i32
      %add3A_140 = arith.constant 1 : i32
      %add3A_141 = arith.addi %add3A_139, %add3A_140 : i32
      %lt3A_142 = arith.constant 200 : i32
      %lt3A_143 = arith.cmpi slt, %add3A_141, %lt3A_142 : i32
      %convert_element_type3A_144 = arith.extui %lt3A_143 : i1 to i32
      %cond3A_145 = arith.constant 0 : i32
      %cond3A_146 = arith.cmpi ne, %convert_element_type3A_144, %cond3A_145 : i32
      scf.if %cond3A_146 {
        %sub3A = arith.constant 3 : i32
        %sub3A_164 = arith.subi %add3A_139, %sub3A : i32
        %eq3A = arith.constant 0 : i32
        %eq3A_165 = arith.cmpi eq, %sub3A_164, %eq3A : i32
        %convert_element_type3A_166 = arith.extui %eq3A_165 : i1 to i32
        %cond3A_167 = arith.constant 0 : i32
        %cond3A_168 = arith.cmpi ne, %convert_element_type3A_166, %cond3A_167 : i32
        scf.if %cond3A_168 {
          %dma_wait3A_183 = arith.constant 0 : i32
          %dma_wait3A_184 = arith.constant 0 : i32
          %dma_wait3A_185 = tpu.memref_slice %arg4[%dma_wait3A_183, %dma_wait3A_184] : memref<815104x128xf32, #tpu.memory_space<hbm>> -> memref<128x64xf32, #tpu.memory_space<hbm>>
          %dma_wait3A_186 = arith.constant 0 : i32
          %dma_wait3A_187 = arith.constant 0 : i32
          %dma_wait3A_188 = tpu.memref_slice %arg4[%dma_wait3A_186, %dma_wait3A_187] : memref<815104x128xf32, #tpu.memory_space<hbm>> -> memref<128x64xf32, #tpu.memory_space<hbm>>
          tpu.wait_dma2 semaphore(%arg12 : memref<!tpu.dma_semaphore, #tpu.memory_space<semaphore_mem>>) src(%arg6 : memref<128x64xf32, #tpu.memory_space<vmem>>) dst(%dma_wait3A_188 : memref<128x64xf32, #tpu.memory_space<hbm>>)
        } else {
        }
        %sub3A_169 = arith.constant 3 : i32
        %sub3A_170 = arith.subi %add3A_139, %sub3A_169 : i32
        %ge3A = arith.constant 1 : i32
        %ge3A_171 = arith.cmpi sge, %sub3A_170, %ge3A : i32
        %convert_element_type3A_172 = arith.extui %ge3A_171 : i1 to i32
        %cond3A_173 = arith.constant 0 : i32
        %cond3A_174 = arith.cmpi ne, %convert_element_type3A_172, %cond3A_173 : i32
        scf.if %cond3A_174 {
          %dma_wait3A_183 = arith.constant 0 : i32
          %dma_wait3A_184 = arith.constant 0 : i32
          %dma_wait3A_185 = tpu.memref_slice %arg4[%dma_wait3A_183, %dma_wait3A_184] : memref<815104x128xf32, #tpu.memory_space<hbm>> -> memref<128x64xf32, #tpu.memory_space<hbm>>
          %dma_wait3A_186 = arith.constant 0 : i32
          %dma_wait3A_187 = arith.constant 0 : i32
          %dma_wait3A_188 = tpu.memref_slice %arg4[%dma_wait3A_186, %dma_wait3A_187] : memref<815104x128xf32, #tpu.memory_space<hbm>> -> memref<128x64xf32, #tpu.memory_space<hbm>>
          tpu.wait_dma2 semaphore(%arg12 : memref<!tpu.dma_semaphore, #tpu.memory_space<semaphore_mem>>) src(%arg6 : memref<128x64xf32, #tpu.memory_space<vmem>>) dst(%dma_wait3A_188 : memref<128x64xf32, #tpu.memory_space<hbm>>)
          %dma_wait3A_189 = arith.constant 0 : i32
          %dma_wait3A_190 = arith.constant 0 : i32
          %dma_wait3A_191 = tpu.memref_slice %arg4[%dma_wait3A_189, %dma_wait3A_190] : memref<815104x128xf32, #tpu.memory_space<hbm>> -> memref<128x64xf32, #tpu.memory_space<hbm>>
          %dma_wait3A_192 = arith.constant 0 : i32
          %dma_wait3A_193 = arith.constant 0 : i32
          %dma_wait3A_194 = tpu.memref_slice %arg4[%dma_wait3A_192, %dma_wait3A_193] : memref<815104x128xf32, #tpu.memory_space<hbm>> -> memref<128x64xf32, #tpu.memory_space<hbm>>
          tpu.wait_dma2 semaphore(%arg12 : memref<!tpu.dma_semaphore, #tpu.memory_space<semaphore_mem>>) src(%arg6 : memref<128x64xf32, #tpu.memory_space<vmem>>) dst(%dma_wait3A_194 : memref<128x64xf32, #tpu.memory_space<hbm>>)
        } else {
        }
        %add3A_175 = arith.constant 1 : i32
        %add3A_176 = arith.addi %add3A_139, %add3A_175 : i32
        %dma_start3A_177 = arith.constant 0 : i32
        %dma_start3A_178 = tpu.memref_slice %arg5[%add3A_176, %dma_start3A_177] : memref<200x128xi32, #tpu.memory_space<vmem>> -> memref<1x128xi32, #tpu.memory_space<vmem>>
        %dma_start3A_179 = tpu.memref_squeeze %dma_start3A_178 : memref<1x128xi32, #tpu.memory_space<vmem>> -> memref<128xi32, #tpu.memory_space<vmem>>
        %dma_start3A_180 = arith.constant 0 : i32
        %dma_start3A_181 = arith.constant 0 : i32
        %dma_start3A_182 = tpu.memref_slice %arg3[%dma_start3A_180, %dma_start3A_181] : memref<2000000x64xf32, #tpu.memory_space<hbm>> -> memref<2000000x64xf32, #tpu.memory_space<hbm>>
        tpu.enqueue_indirect_dma source(%dma_start3A_182 : memref<2000000x64xf32, #tpu.memory_space<hbm>>) target(%arg6 : memref<128x64xf32, #tpu.memory_space<vmem>>) offsets(%dma_start3A_179 : memref<128xi32, #tpu.memory_space<vmem>>) semaphore(%arg10 : memref<!tpu.dma_semaphore, #tpu.memory_space<semaphore_mem>>)
      } else {
      }
      %dma_wait3A_147 = arith.constant 0 : i32
      %dma_wait3A_148 = arith.constant 0 : i32
      %dma_wait3A_149 = tpu.memref_slice %arg5[%dma_wait3A_147, %dma_wait3A_148] : memref<200x128xi32, #tpu.memory_space<vmem>> -> memref<1x128xi32, #tpu.memory_space<vmem>>
      %dma_wait3A_150 = tpu.memref_squeeze %dma_wait3A_149 : memref<1x128xi32, #tpu.memory_space<vmem>> -> memref<128xi32, #tpu.memory_space<vmem>>
      %dma_wait3A_151 = arith.constant 0 : i32
      %dma_wait3A_152 = arith.constant 0 : i32
      %dma_wait3A_153 = tpu.memref_slice %arg3[%dma_wait3A_151, %dma_wait3A_152] : memref<2000000x64xf32, #tpu.memory_space<hbm>> -> memref<2000000x64xf32, #tpu.memory_space<hbm>>
      tpu.wait_indirect_dma semaphore(%arg11 : memref<!tpu.dma_semaphore, #tpu.memory_space<semaphore_mem>>) src(%dma_wait3A_153 : memref<2000000x64xf32, #tpu.memory_space<hbm>>) dst(%arg9 : memref<128x64xf32, #tpu.memory_space<vmem>>)
      %lt3A_154 = arith.constant 199 : i32
      %lt3A_155 = arith.cmpi slt, %add3A_139, %lt3A_154 : i32
      %convert_element_type3A_156 = arith.extui %lt3A_155 : i1 to i32
      %cond3A_157 = arith.constant 0 : i32
      %cond3A_158 = arith.cmpi ne, %convert_element_type3A_156, %cond3A_157 : i32
      scf.if %cond3A_158 {
        %mul3A_164 = arith.constant 4096 : i32
        %mul3A_165 = arith.muli %add3A_139, %mul3A_164 : i32
        %add3A_166 = arith.addi %mul3A_165, %mul3A_2 : i32
        %dma_start3A_167 = arith.constant 0 : i32
        %dma_start3A_168 = tpu.memref_slice %arg4[%add3A_166, %dma_start3A_167] : memref<815104x128xf32, #tpu.memory_space<hbm>> -> memref<128x64xf32, #tpu.memory_space<hbm>>
        %dma_start3A_169 = arith.constant 0 : i32
        %dma_start3A_170 = tpu.memref_slice %arg4[%add3A_166, %dma_start3A_169] : memref<815104x128xf32, #tpu.memory_space<hbm>> -> memref<128x64xf32, #tpu.memory_space<hbm>>
        tpu.enqueue_dma source(%arg9 : memref<128x64xf32, #tpu.memory_space<vmem>>) target(%dma_start3A_170 : memref<128x64xf32, #tpu.memory_space<hbm>>) target_semaphore(%arg15 : memref<!tpu.dma_semaphore, #tpu.memory_space<semaphore_mem>>)
      } else {
      }
      %gt3A_159 = arith.constant 0 : i32
      %gt3A_160 = arith.cmpi sgt, %add3A_139, %gt3A_159 : i32
      %convert_element_type3A_161 = arith.extui %gt3A_160 : i1 to i32
      %cond3A_162 = arith.constant 0 : i32
      %cond3A_163 = arith.cmpi ne, %convert_element_type3A_161, %cond3A_162 : i32
      scf.if %cond3A_163 {
        %sub3A = arith.constant 1 : i32
        %sub3A_164 = arith.subi %add3A_139, %sub3A : i32
        %mul3A_165 = arith.constant 4096 : i32
        %mul3A_166 = arith.muli %sub3A_164, %mul3A_165 : i32
        %add3A_167 = arith.addi %mul3A_166, %mul3A_2 : i32
        %dma_start3A_168 = arith.constant 64 : i32
        %dma_start3A_169 = tpu.memref_slice %arg4[%add3A_167, %dma_start3A_168] : memref<815104x128xf32, #tpu.memory_space<hbm>> -> memref<128x64xf32, #tpu.memory_space<hbm>>
        %dma_start3A_170 = arith.constant 64 : i32
        %dma_start3A_171 = tpu.memref_slice %arg4[%add3A_167, %dma_start3A_170] : memref<815104x128xf32, #tpu.memory_space<hbm>> -> memref<128x64xf32, #tpu.memory_space<hbm>>
        tpu.enqueue_dma source(%arg9 : memref<128x64xf32, #tpu.memory_space<vmem>>) target(%dma_start3A_171 : memref<128x64xf32, #tpu.memory_space<hbm>>) target_semaphore(%arg15 : memref<!tpu.dma_semaphore, #tpu.memory_space<semaphore_mem>>)
      } else {
      }
    }
    %scan3A_13 = arith.constant 50 : i32
    %dma_wait3A = arith.constant 0 : i32
    %dma_wait3A_14 = arith.constant 0 : i32
    %dma_wait3A_15 = tpu.memref_slice %arg4[%dma_wait3A, %dma_wait3A_14] : memref<815104x128xf32, #tpu.memory_space<hbm>> -> memref<128x64xf32, #tpu.memory_space<hbm>>
    %dma_wait3A_16 = arith.constant 0 : i32
    %dma_wait3A_17 = arith.constant 0 : i32
    %dma_wait3A_18 = tpu.memref_slice %arg4[%dma_wait3A_16, %dma_wait3A_17] : memref<815104x128xf32, #tpu.memory_space<hbm>> -> memref<128x64xf32, #tpu.memory_space<hbm>>
    tpu.wait_dma2 semaphore(%arg12 : memref<!tpu.dma_semaphore, #tpu.memory_space<semaphore_mem>>) src(%arg6 : memref<128x64xf32, #tpu.memory_space<vmem>>) dst(%dma_wait3A_18 : memref<128x64xf32, #tpu.memory_space<hbm>>)
    %dma_wait3A_19 = arith.constant 0 : i32
    %dma_wait3A_20 = arith.constant 0 : i32
    %dma_wait3A_21 = tpu.memref_slice %arg4[%dma_wait3A_19, %dma_wait3A_20] : memref<815104x128xf32, #tpu.memory_space<hbm>> -> memref<128x64xf32, #tpu.memory_space<hbm>>
    %dma_wait3A_22 = arith.constant 0 : i32
    %dma_wait3A_23 = arith.constant 0 : i32
    %dma_wait3A_24 = tpu.memref_slice %arg4[%dma_wait3A_22, %dma_wait3A_23] : memref<815104x128xf32, #tpu.memory_space<hbm>> -> memref<128x64xf32, #tpu.memory_space<hbm>>
    tpu.wait_dma2 semaphore(%arg12 : memref<!tpu.dma_semaphore, #tpu.memory_space<semaphore_mem>>) src(%arg6 : memref<128x64xf32, #tpu.memory_space<vmem>>) dst(%dma_wait3A_24 : memref<128x64xf32, #tpu.memory_space<hbm>>)
    %dma_wait3A_25 = arith.constant 0 : i32
    %dma_wait3A_26 = arith.constant 0 : i32
    %dma_wait3A_27 = tpu.memref_slice %arg4[%dma_wait3A_25, %dma_wait3A_26] : memref<815104x128xf32, #tpu.memory_space<hbm>> -> memref<128x64xf32, #tpu.memory_space<hbm>>
    %dma_wait3A_28 = arith.constant 0 : i32
    %dma_wait3A_29 = arith.constant 0 : i32
    %dma_wait3A_30 = tpu.memref_slice %arg4[%dma_wait3A_28, %dma_wait3A_29] : memref<815104x128xf32, #tpu.memory_space<hbm>> -> memref<128x64xf32, #tpu.memory_space<hbm>>
    tpu.wait_dma2 semaphore(%arg13 : memref<!tpu.dma_semaphore, #tpu.memory_space<semaphore_mem>>) src(%arg7 : memref<128x64xf32, #tpu.memory_space<vmem>>) dst(%dma_wait3A_30 : memref<128x64xf32, #tpu.memory_space<hbm>>)
    %dma_wait3A_31 = arith.constant 0 : i32
    %dma_wait3A_32 = arith.constant 0 : i32
    %dma_wait3A_33 = tpu.memref_slice %arg4[%dma_wait3A_31, %dma_wait3A_32] : memref<815104x128xf32, #tpu.memory_space<hbm>> -> memref<128x64xf32, #tpu.memory_space<hbm>>
    %dma_wait3A_34 = arith.constant 0 : i32
    %dma_wait3A_35 = arith.constant 0 : i32
    %dma_wait3A_36 = tpu.memref_slice %arg4[%dma_wait3A_34, %dma_wait3A_35] : memref<815104x128xf32, #tpu.memory_space<hbm>> -> memref<128x64xf32, #tpu.memory_space<hbm>>
    tpu.wait_dma2 semaphore(%arg13 : memref<!tpu.dma_semaphore, #tpu.memory_space<semaphore_mem>>) src(%arg7 : memref<128x64xf32, #tpu.memory_space<vmem>>) dst(%dma_wait3A_36 : memref<128x64xf32, #tpu.memory_space<hbm>>)
    %dma_wait3A_37 = arith.constant 0 : i32
    %dma_wait3A_38 = arith.constant 0 : i32
    %dma_wait3A_39 = tpu.memref_slice %arg4[%dma_wait3A_37, %dma_wait3A_38] : memref<815104x128xf32, #tpu.memory_space<hbm>> -> memref<128x64xf32, #tpu.memory_space<hbm>>
    %dma_wait3A_40 = arith.constant 0 : i32
    %dma_wait3A_41 = arith.constant 0 : i32
    %dma_wait3A_42 = tpu.memref_slice %arg4[%dma_wait3A_40, %dma_wait3A_41] : memref<815104x128xf32, #tpu.memory_space<hbm>> -> memref<128x64xf32, #tpu.memory_space<hbm>>
    tpu.wait_dma2 semaphore(%arg14 : memref<!tpu.dma_semaphore, #tpu.memory_space<semaphore_mem>>) src(%arg8 : memref<128x64xf32, #tpu.memory_space<vmem>>) dst(%dma_wait3A_42 : memref<128x64xf32, #tpu.memory_space<hbm>>)
    %dma_wait3A_43 = arith.constant 0 : i32
    %dma_wait3A_44 = arith.constant 0 : i32
    %dma_wait3A_45 = tpu.memref_slice %arg4[%dma_wait3A_43, %dma_wait3A_44] : memref<815104x128xf32, #tpu.memory_space<hbm>> -> memref<128x64xf32, #tpu.memory_space<hbm>>
    %dma_wait3A_46 = arith.constant 0 : i32
    %dma_wait3A_47 = arith.constant 0 : i32
    %dma_wait3A_48 = tpu.memref_slice %arg4[%dma_wait3A_46, %dma_wait3A_47] : memref<815104x128xf32, #tpu.memory_space<hbm>> -> memref<128x64xf32, #tpu.memory_space<hbm>>
    tpu.wait_dma2 semaphore(%arg14 : memref<!tpu.dma_semaphore, #tpu.memory_space<semaphore_mem>>) src(%arg8 : memref<128x64xf32, #tpu.memory_space<vmem>>) dst(%dma_wait3A_48 : memref<128x64xf32, #tpu.memory_space<hbm>>)
    %dma_wait3A_49 = arith.constant 0 : i32
    %dma_wait3A_50 = arith.constant 0 : i32
    %dma_wait3A_51 = tpu.memref_slice %arg4[%dma_wait3A_49, %dma_wait3A_50] : memref<815104x128xf32, #tpu.memory_space<hbm>> -> memref<128x64xf32, #tpu.memory_space<hbm>>
    %dma_wait3A_52 = arith.constant 0 : i32
    %dma_wait3A_53 = arith.constant 0 : i32
    %dma_wait3A_54 = tpu.memref_slice %arg4[%dma_wait3A_52, %dma_wait3A_53] : memref<815104x128xf32, #tpu.memory_space<hbm>> -> memref<128x64xf32, #tpu.memory_space<hbm>>
    tpu.wait_dma2 semaphore(%arg15 : memref<!tpu.dma_semaphore, #tpu.memory_space<semaphore_mem>>) src(%arg9 : memref<128x64xf32, #tpu.memory_space<vmem>>) dst(%dma_wait3A_54 : memref<128x64xf32, #tpu.memory_space<hbm>>)
    return
  }
}

</mosaic_0001>

<sc_bundles>
// kernel: kernel.3.cloned.1.call-start
scs
__scs_entry_jumppad:
0x0: {  	(pc) =	sbr.rel $0x88, $3  }
0x1: {  	(tag) =	ssettag $0x0;
	lr =	simm.s32 $0x1  }
0x2: {  	[smem:$0x3F9F] =	sst lr;
	_ =	strace $0xD0000000  }
0x3: {  	_ = 	snop  }
0x4: {  	_ = 	snop  }
0x5: {  	_ = 	snop  }
0x6: {  	_ = 	snop  }
0x7: {  	_ = 	snop  }
__scs_overlays_trampoline_lowered:
0x8: {  	[smem:$0x3FAE] =	sst s0  }
0x9: {  	[smem:$0x3FAF] =	sst s1  }
0xa: {  	[smem:$0x3FB0] =	sst s2  }
0xb: {  	[smem:$0x3FB1] =	sst s3  }
0xc: {  	[smem:$0x3FB2] =	sst s4  }
0xd: {  	[smem:$0x3FB3] =	sst s5  }
0xe: {  	[smem:$0x3FB4] =	sst s6  }
0xf: {  	[smem:$0x3FB5] =	sst s7  }
0x10: {  	[smem:$0x3FB6] =	sst s8  }
0x11: {  	[smem:$0x3FB7] =	sst s9;
	s0 =	simm.s32 @!p0 $0x0  }
0x12: {  	s1 =	sld [smem:$0x3F9D];
	s0 =	simm.s32 @p0 $0x1  }
0x13: {  	[smem:$0x3FB8] =	sst s0;
	s0 =	simm.s32 @!p1 $0x0  }
0x14: {  	s2 =	sld [smem:$0x3F9C];
	s0 =	simm.s32 @p1 $0x1  }
0x15: {  	[smem:$0x3FB9] =	sst s0;
	s0 =	simm.s32 @!p2 $0x0  }
0x16: {  	s3 =	sld [smem:$0x3FDB];
	s0 =	simm.s32 @p2 $0x1  }
0x17: {  	s4 =	simm.s32 $0x1BF5;
	[smem:$0x3FBB] =	sst s0  }
0x18: {  	s0 =	sld [smem:$0x3F9E];
	_ =	swait.ge [sflag:s4], $0x0  }
0x19: {  	s7 =	sld [smem:$0x3F9F]  }
0x1a: {  	s8 =	sadd.s32 $0xFFFFE003, lr  }
0x1b: {  	s9 =	sadd.s32 $0xFFFFFEF7, lr;
	s5 =	simm.s32 $0xFFFFFFFF;
	p2 =	slt.u32 s8, $0xFFFFF086  }
0x1c: {  	p1 =	slt.u32 s9, $0xF7A;
	s5 =	simm.s32 @!p2 $0x0  }
0x1d: {  	s5 =	simm.s32 @p1 $0x1;
	p0 =	seq.s32 s7, s2  }
0x1e: {  	s7 =	smul.u32 @!p0 $0xF7A, s2;
	p2 =	seq.s32 @!p0 s5, $0x0  }
0x1f: {  	s9 =	smul.u32 $0xF7A, s1;
	s8 =	simm.s32 @!p0 $0x1BF5;
	p2 =	por !p2, p0  }
0x20: {  	[sflag:s8] =	ssyncset.s32 @!p0 $0xFFFFF086;
	s6 =	sadd.s32 @!p0 s3, s7;
	s7 =	simm.s32 @!p0 $0x108  }
0x21: {  	s3 =	sadd.s32 s3, s9;
	s6 =	sadd.s32 @!p0 $0x88, s6;
	s7 =	simm.s32 @p2 $0x1082  }
0x22: {  	[simem:s7], [sflag:s8] =	dma.local @!p0 [hbm:s6], $0xF7A  }
0x23: {  	s9 =	sor.u32 $0xD0000000, s2;
	s6 =	simm.s32 $0x108;
	_ =	swait.ge @!p0 [sflag:s8], $0x0  }
0x24: {  	s3 =	sadd.s32 $0x88, s3;
	s6 =	simm.s32 @!p1 $0x1082;
	[sflag:s4] =	ssyncset.s32 $0xFFFFF086  }
0x25: {  	[simem:s6], [sflag:s4] =	dma.local [hbm:s3], $0xF7A  }
0x26: {  	[smem:$0x3F9F] =	sst s1;
	(tag) =	ssettag s2;
	_ =	strace s9  }
0x27: {  	s1 =	sld [smem:$0x3FAF]  }
0x28: {  	s2 =	sld [smem:$0x3FB0]  }
0x29: {  	s4 =	sld [smem:$0x3FB2]  }
0x2a: {  	p0 =	seq.s32 s5, $0x0;
	s5 =	sld [smem:$0x3FB3]  }
0x2b: {  	s6 =	sld [smem:$0x3FB4]  }
0x2c: {  	s7 =	sld [smem:$0x3FB5]  }
0x2d: {  	s3 =	simm.s32 $0x108;
	s8 =	sld [smem:$0x3FB6]  }
0x2e: {  	s3 =	simm.s32 @!p0 $0x1082;
	s9 =	sld [smem:$0x3FB7]  }
0x2f: {  	lr =	sadd.s32 s0, s3;
	s0 =	sld [smem:$0x3FAE]  }
0x30: {  	s3 =	sld [smem:$0x3FB1]  }
0x31: {  	[smem:$0x3FBA] =	sst s10  }
0x32: {  	s10 =	sld [smem:$0x3FB8];
	_ =	sdelay $0x3  }
0x33: {  	p0 =	seq.s32 s10, $0x1;
	s10 =	sld [smem:$0x3FBA];
	_ =	sdelay $0x3  }
0x34: {  	[smem:$0x3FBA] =	sst s10  }
0x35: {  	s10 =	sld [smem:$0x3FB9];
	_ =	sdelay $0x3  }
0x36: {  	p1 =	seq.s32 s10, $0x1;
	s10 =	sld [smem:$0x3FBA];
	_ =	sdelay $0x3  }
0x37: {  	[smem:$0x3FBA] =	sst s10  }
0x38: {  	s10 =	sld [smem:$0x3FBB]  }
0x39: {  	_ = 	snop;
	(pc) =	sbr.ind lr, $3  }
0x3a: {  	_ = 	snop  }
0x3b: {  	_ = 	snop  }
0x3c: {  	p2 =	seq.s32 s10, $0x1;
	s10 =	sld [smem:$0x3FBA]  }
0x3d: {  	_ =	shalt  }
0x3e: {  	_ =	shalt  }
0x3f: {  	_ =	shalt  }
0x40: {  	_ =	shalt  }
0x41: {  	_ =	shalt  }
0x42: {  	_ =	shalt  }
0x43: {  	_ =	shalt  }
0x44: {  	_ =	shalt  }
0x45: {  	_ =	shalt  }
0x46: {  	_ =	shalt  }
0x47: {  	_ =	shalt  }
0x48: {  	_ =	shalt  }
0x49: {  	_ =	shalt  }
0x4a: {  	_ =	shalt  }
0x4b: {  	_ =	shalt  }
0x4c: {  	_ =	shalt  }
0x4d: {  	_ =	shalt  }
0x4e: {  	_ =	shalt  }
0x4f: {  	_ =	shalt  }
0x50: {  	_ =	shalt  }
0x51: {  	_ =	shalt  }
0x52: {  	_ =	shalt  }
0x53: {  	_ =	shalt  }
0x54: {  	_ =	shalt  }
0x55: {  	_ =	shalt  }
0x56: {  	_ =	shalt  }
0x57: {  	_ =	shalt  }
0x58: {  	_ =	shalt  }
0x59: {  	_ =	shalt  }
0x5a: {  	_ =	shalt  }
0x5b: {  	_ =	shalt  }
0x5c: {  	_ =	shalt  }
0x5d: {  	_ =	shalt  }
0x5e: {  	_ =	shalt  }
0x5f: {  	_ =	shalt  }
0x60: {  	_ =	shalt  }
0x61: {  	_ =	shalt  }
0x62: {  	_ =	shalt  }
0x63: {  	_ =	shalt  }
0x64: {  	_ =	shalt  }
0x65: {  	_ =	shalt  }
0x66: {  	_ =	shalt  }
0x67: {  	_ =	shalt  }
0x68: {  	_ =	shalt  }
0x69: {  	_ =	shalt  }
0x6a: {  	_ =	shalt  }
0x6b: {  	_ =	shalt  }
0x6c: {  	_ =	shalt  }
0x6d: {  	_ =	shalt  }
0x6e: {  	_ =	shalt  }
0x6f: {  	_ =	shalt  }
0x70: {  	_ =	shalt  }
0x71: {  	_ =	shalt  }
0x72: {  	_ =	shalt  }
0x73: {  	_ =	shalt  }
0x74: {  	_ =	shalt  }
0x75: {  	_ =	shalt  }
0x76: {  	_ =	shalt  }
0x77: {  	_ =	shalt  }
0x78: {  	_ =	shalt  }
0x79: {  	_ =	shalt  }
0x7a: {  	_ =	shalt  }
0x7b: {  	_ =	shalt  }
0x7c: {  	_ =	shalt  }
0x7d: {  	_ =	shalt  }
0x7e: {  	_ =	shalt  }
0x7f: {  	_ =	shalt  }
0x80: {  	_ =	shalt  }
0x81: {  	_ =	shalt  }
0x82: {  	_ =	shalt  }
0x83: {  	_ =	shalt  }
0x84: {  	_ =	shalt  }
0x85: {  	_ =	shalt  }
0x86: {  	_ =	shalt  }
0x87: {  	_ =	shalt  }
.Lfunc_end0:
.L_simem_size_0:
called_computation.1_lowered:
.L_overlay_start_0:
0x88: {  	s2 =	sld [smem:$0x3FD9]  }
0x89: {  	s3 =	sld [smem:$0x3FFE];
	_ =	sdelay $0x1  }
0x8a: {  	s1 =	srdreg.scid  }
0x8b: {  	s0 =	sand.u32 $0x1, s1  }
0x8c: {  	s17 =	sshll.u32 s0, $0xA;
	s2 =	sadd.s32 s3, s2  }
0x8d: {  	s2 =	sadd.s32 s2, s17  }
0x8e: {  	[smem:$0x3FC6] =	sst s2  }
0x8f: {  	_ = 	snop  }
0x90: {  	s2 =	sld [smem:$0x3FD0];
	(tm) =	ssettm $0x1  }
0x91: {  	s18 =	sld [smem:$0x3FFB];
	_ =	sdelay $0x3  }
0x92: {  	_ =	strace s18  }
0x93: {  	s3 =	sld [smem:$0x3FFC];
	_ =	sdelay $0x3  }
0x94: {  	_ =	strace s3  }
0x95: {  	s3 =	sld [smem:$0x3FFD];
	_ =	sdelay $0x3  }
0x96: {  	_ =	strace s3  }
0x97: {  	_ =	strace $0x8FFFFFFF  }
0x98: {  	s19 =	sld [smem:$0x3FDB];
	_ =	sdelay $0x1  }
0x99: {  	s4 =	simm.s32 $_scs_section_size  }
0x9a: {  	s5 =	simm.s32 $_size__tile_overlayer_lowered;
	s6 =	simm.s32 $_tile_overlayer_lowered  }
0x9b: {  	s22 =	simm.s32 $0x1BFF;
	s21 =	sshll.u32 s6, $0x1;
	s3 =	sadd.s32 s4, s19  }
0x9c: {  	s7 =	simm.s32 $0x0;
	s20 =	sshll.u32 s5, $0x1;
	s5 =	sadd.s32 s21, s3  }
0x9d: {  	[timem:s7], [sflag:s22] =	dma.local [hbm:s5], s20  }
0x9e: {  	_ =	swait.ge [sflag:s22], s20  }
0x9f: {  	s4 =	ssub.s32 $0x0, s20;
	[sflag:s22] =	ssyncset.done $0x0  }
0xa0: {  	[sflag:s22] =	ssyncadd.s32 s4;
	_ =	sdelay $0x1  }
0xa1: {  	s23 =	simm.s32 $0x1B8B  }
0xa2: {  	_ =	swait.ge [sflag:s23], $0x1  }
0xa3: {  	[sflag:s23] =	ssyncset.done $0x0  }
0xa4: {  	s25 =	simm.s32 $0x1B8E;
	s24 =	sld [smem:$0x3FFE];
	[sflag:s23] =	ssyncadd.s32 $0xFFFFFFFF  }
0xa5: {  	s26 =	simm.s32 $execute0_lowered;
	[smem:$0x3FD2] =	sst s25  }
0xa6: {  	s5 =	sshll.u32 s26, $0x1;
	_ =	strace $0x80000049;
	[dreg:$0x1] =	wrdreg $0xFFFFFFFF  }
0xa7: {  	s28 =	simm.s32 $_size_execute0_lowered;
	s3 =	sadd.s32 s3, s5;
	[dreg:$0x0] =	wrdreg $0x0  }
0xa8: {  	s5 =	sshll.u32 s28, $0x1;
	[dreg:$0x2] =	wrdreg s3  }
0xa9: {  	[dreg:$0x3] =	wrdreg s5  }
0xaa: {  	[dreg:$0x4] =	wrdreg $0xC0  }
0xab: {  	_ =	task [dreg:s7], $0x5FFFF  }
0xac: {  	[dreg:$0x1] =	wrdreg $0xFFFFFFFF  }
0xad: {  	[dreg:$0x0] =	wrdreg $0x60  }
0xae: {  	[dreg:$0x2] =	wrdreg s24  }
0xaf: {  	[dreg:$0x3] =	wrdreg s2  }
0xb0: {  	[dreg:$0x4] =	wrdreg $0x9  }
0xb1: {  	_ =	task.clear_ibuf [dreg:s7], $0x5FFFF;
	_ =	strace $0x90000049  }
0xb2: {  	s29 =	simm.s32 $0x9;
	_ =	strace $0x8000004B  }
0xb3: {  	_ =	swait.ge [sflag:s29], $0x1  }
0xb4: {  	[sflag:s29] =	ssyncadd.s32 $0xFFFFFFFF  }
0xb5: {  	_ =	strace $0x9000004B  }
0xb6: {  	_ =	sfence  }
0xb7: {  	s30 =	sld [smem:$0x0];
	_ =	sdelay $0x2  }
0xb8: {  	s31 =	sshll.u32 s1, $0xD;
	s1 =	sshrl.u32 s1, $0x2  }
0xb9: {  	s3 =	sand.u32 $0x4000, s31;
	s1 =	sadd.s32 s1, s30  }
0xba: {  	s0 =	sor.u32 s3, s0;
	s1 =	sshll.u32 s1, $0x11  }
0xbb: {  	s0 =	sor.u32 s1, s0  }
0xbc: {  	s0 =	sadd.s32 $0x8F2B, s0  }
0xbd: {  	[sflag:s0] =	ssyncadd.remote.s32 $0x1  }
0xbe: {  	_ =	sfence.sel $0xFFFF  }
0xbf: {  	[dreg:$0x0] =	wrdreg $0xFFFFFFFF;
	(pc) =	sbr.abs _section_cstart, $3  }
0xc0: {  	[dreg:$0x1] =	wrdreg $0xFFFFFFFF  }
0xc1: {  	_ =	task.clear_ibuf [dreg:s7], $0x2FFFF;
	_ =	strace $0x9FFFFFFF  }
0xc2: {  	(tm) =	ssettm $0x7FFFFFFF  }
0xc3: {  	_ =	shalt  }
tec
execute0_lowered:
.L_overlay_start_1:
0x0: {  	(tag) =	ssettag $0x1  }
0x1: {  	s1 =	srdreg.scid;
	s3 =	rddreg [dreg:$0x0]  }
0x2: {  	s0 =	stileid.u32;
	s10 =	rddreg [dreg:$0x1]  }
0x3: {  	s28 =	simm.s32 $0x0;
	s13 =	simm.s32 $0x7;
	s14 =	simm.s32 $0x6400  }
0x4: {  	s15 =	simm.s32 $0x8400;
	s16 =	simm.s32 $0x1;
	s17 =	simm.s32 $0x40  }
0x5: {  	s18 =	simm.s32 $0x2;
	s19 =	simm.s32 $0xA400;
	s20 =	simm.s32 $0xC400  }
0x6: {  	s21 =	simm.s32 $0x3;
	s22 =	simm.s32 $0x4;
	s23 =	simm.s32 $0x5  }
0x7: {  	s24 =	simm.s32 $0x6;
	s25 =	simm.s32 $0x0;
	s5 =	sand.u32 $0x1, s1  }
0x8: {  	s4 =	sshll.u32 s0, $0x8;
	[smem:$0x7FF] =	sst s28;
	s31 =	sshll.u32 s0, $0xC  }
0x9: {  	s6 =	sshll.u32 s5, $0x7;
	s7 =	ssub.s32 $0x2, s5;
	_ =	strace $0x8000004A  }
0xa: {  	s11 =	sshll.u32 s5, $0xB;
	s5 =	sadd.s32 $0x8, s10;
	s6 =	sor.u32 s6, s4  }
.Ltmp0:
0xb: {  	s8 =	sshrl.u32 s7, $0x1;
	s4 =	sshrl.u32 s6, $0x3;
	(pc) =	sbr.rel .LBB2_1-.Ltmp0, $4  }
0xc: {  	s9 =	ssub.s32 s7, s8;
	s30 =	sshll.u32 s6, $0x4;
	s7 =	sor.u32 s11, s31  }
0xd: {  	s11 =	simm.s32 $0x80;
	s4 =	sadd.s32 s4, s3;
	s3 =	sadd.s32 $0xF5BE00, s3  }
0xe: {  	s6 =	sadd.s32 s10, s30;
	s8 =	sadd.s32 s30, s5;
	s29 =	sadd.s32 $0xF42E00, s4  }
0xf: {  	s9 =	smax.u32 s9, $0x1;
	s10 =	sadd.s32 s10, s7;
	[dreg:$0x3] =	wrdreg s29  }
.LBB2_7:
0x10: {  	_ =	swait.ge [sflag:s21], $0x2000  }
0x11: {  	[sflag:s21] =	ssyncset.done $0x0  }
0x12: {  	[sflag:s21] =	ssyncadd.s32 $0xFFFFE000  }
0x13: {  	_ =	swait.ge [sflag:s21], $0x2000  }
0x14: {  	[sflag:s21] =	ssyncset.done $0x0  }
0x15: {  	[sflag:s21] =	ssyncadd.s32 $0xFFFFE000  }
0x16: {  	_ =	swait.ge [sflag:s22], $0x2000  }
0x17: {  	[sflag:s22] =	ssyncset.done $0x0  }
0x18: {  	[sflag:s22] =	ssyncadd.s32 $0xFFFFE000  }
0x19: {  	_ =	swait.ge [sflag:s22], $0x2000  }
0x1a: {  	[sflag:s22] =	ssyncset.done $0x0  }
0x1b: {  	[sflag:s22] =	ssyncadd.s32 $0xFFFFE000  }
0x1c: {  	_ =	swait.ge [sflag:s23], $0x2000  }
0x1d: {  	[sflag:s23] =	ssyncset.done $0x0  }
0x1e: {  	s25 =	sadd.s32 $0x1, s25;
	[sflag:s23] =	ssyncadd.s32 $0xFFFFE000  }
0x1f: {  	p0 =	sne.s32 s25, s9;
	_ =	swait.ge [sflag:s23], $0x2000  }
.Ltmp1:
0x20: {  	[sflag:s23] =	ssyncset.done $0x0;
	(pc) =	sbr.rel @!p0 .LBB2_8-.Ltmp1, $4  }
0x21: {  	[sflag:s23] =	ssyncadd.s32 $0xFFFFE000  }
0x22: {  	_ =	swait.ge [sflag:s24], $0x2000  }
0x23: {  	[sflag:s24] =	ssyncset.done $0x0  }
0x24: {  	[sflag:s24] =	ssyncadd.s32 $0xFFFFE000  }
.LBB2_1:
0x25: {  	s0 =	simm.s32 $0x0;
	s1 =	rddreg [dreg:$0x3];
	s2 =	simm.s32 $0x1000  }
0x26: {  	[tilespmem:s0], [sflag:$0x7] =	stream.strided.gather [hbm4b:s1+s11], $0x6400, s2, s11, $0x38;
	[tilespmem:$0xE400] =	vst v63  }
.Ltmp2:
0x27: {  	_ = 	snop;
	(pc) =	sbr.rel .LBB2_2-.Ltmp2, $4  }
0x28: {  	_ =	swait.ge [sflag:s13], $0x6400  }
0x29: {  	s26 =	simm.s32 $0x180;
	s28 =	simm.s32 $0x3;
	[sflag:s13] =	ssyncset.done $0x0  }
0x2a: {  	s29 =	simm.s32 $0x0;
	s30 =	simm.s32 $0x0;
	[sflag:s13] =	ssyncadd.s32 $0xFFFF9C00  }
0x2b: {  	[tilespmem:s14], [sflag:$0x1] =	stream.indirect.gather [hbm4b:s3+s11], $0x40, s0, s11, $0xb8;
	[tilespmem:$0xE400] =	vst v63  }
.LBB2_5:
0x2c: {  	_ =	swait.ge [sflag:s21], $0x2000  }
0x2d: {  	[sflag:s21] =	ssyncset.done $0x0  }
0x2e: {  	s0 =	sadd.s32 $0x80, s26;
	[sflag:s21] =	ssyncadd.s32 $0xFFFFE000  }
0x2f: {  	[tilespmem:s14], [sflag:$0x1] =	stream.indirect.gather [hbm4b:s3+s11], $0x40, s0, s11, $0xb8;
	[tilespmem:$0xE400] =	vst v63  }
.LBB2_6:
0x30: {  	_ =	swait.ge [sflag:s18], $0x2000;
	p0 =	sgt.u32 s28, $0xC6  }
0x31: {  	[sflag:s18] =	ssyncset.done $0x0;
	s0 =	sadd.s32 @!p0 s29, s10  }
0x32: {  	s1 =	simm.s32 @!p0 $0x40;
	s2 =	simm.s32 @!p0 $0x80;
	s4 =	simm.s32 @!p0 $0xC400  }
0x33: {  	s29 =	sadd.s32 $0x40000, s29;
	[sflag:s18] =	ssyncadd.s32 $0xFFFFE000;
	s0 =	sadd.s32 @!p0 $0x30000, s0  }
0x34: {  	[hbm4b:s0+s1] =	stream.strided.scatter @!p0 [tilespmem:s4], [sflag:$0x6], $0x2000, s2, s1, $0x38;
	[tilespmem:$0xE400] =	vst v63  }
0x35: {  	p0 =	sne.s32 s29, $0xC80000  }
.Ltmp3:
0x36: {  	_ = 	snop;
	(pc) =	sbr.rel @!p0 .LBB2_7-.Ltmp3, $4  }
0x37: {  	_ = 	snop  }
0x38: {  	s31 =	sshll.u32 s31, $0x10;
	s30 =	sadd.s32 $0x1, s30  }
0x39: {  	s26 =	sadd.s32 $0x200, s26;
	s28 =	sadd.s32 $0x4, s28;
	s0 =	sadd.s32 s31, s8  }
0x3a: {  	[hbm4b:s0+s17] =	stream.strided.scatter [tilespmem:s20], [sflag:$0x6], $0x2000, s11, s17, $0x38;
	[tilespmem:$0xE400] =	vst v63  }
.LBB2_2:
0x3b: {  	p0 =	seq.s32 s29, $0x0  }
0x3c: {  	s31 =	simm.s32 @!p0 $0x4  }
0x3d: {  	_ =	swait.ge @!p0 [sflag:s31], $0x2000  }
0x3e: {  	[sflag:s31] =	ssyncset.done @!p0 $0x0  }
0x3f: {  	[sflag:s31] =	ssyncadd.s32 @!p0 $0xFFFFE000  }
0x40: {  	_ =	swait.ge @!p0 [sflag:s31], $0x2000  }
0x41: {  	[sflag:s31] =	ssyncset.done @!p0 $0x0  }
0x42: {  	[sflag:s31] =	ssyncadd.s32 @!p0 $0xFFFFE000;
	s31 =	sadd.s32 $0xFFFFFF00, s26  }
0x43: {  	[tilespmem:s15], [sflag:$0x2] =	stream.indirect.gather [hbm4b:s3+s11], $0x40, s31, s11, $0xb8;
	[tilespmem:$0xE400] =	vst v63  }
0x44: {  	s31 =	sadd.s32 @!p0 s29, s7;
	_ =	swait.ge [sflag:s16], $0x2000  }
0x45: {  	s1 =	sadd.s32 s29, s10;
	s31 =	sadd.s32 @!p0 $0x1FFF0000, s31;
	[sflag:s16] =	ssyncset.done $0x0  }
0x46: {  	s0 =	simm.s32 @!p0 $0x40;
	s31 =	sand.u32 @!p0 $0x1FFFF800, s31;
	[sflag:s16] =	ssyncadd.s32 $0xFFFFE000  }
0x47: {  	[hbm4b:s1+s17] =	stream.strided.scatter [tilespmem:s14], [sflag:$0x3], $0x2000, s11, s17, $0x38;
	[tilespmem:$0xE400] =	vst v63  }
0x48: {  	s12 =	simm.s32 @!p0 $0x80;
	s2 =	simm.s32 @!p0 $0x6400;
	s31 =	sadd.s32 @!p0 s31, s5  }
0x49: {  	[hbm4b:s31+s0] =	stream.strided.scatter @!p0 [tilespmem:s2], [sflag:$0x3], $0x2000, s12, s0, $0x38;
	[tilespmem:$0xE400] =	vst v63  }
0x4a: {  	s0 =	simm.s32 @!p0 $0x5  }
0x4b: {  	_ =	swait.ge @!p0 [sflag:s0], $0x2000  }
0x4c: {  	[sflag:s0] =	ssyncset.done @!p0 $0x0  }
0x4d: {  	s31 =	sadd.s32 @!p0 $0xFFFFFFFF, s28;
	[sflag:s0] =	ssyncadd.s32 @!p0 $0xFFFFE000  }
0x4e: {  	s31 =	simm.s32 @p0 $0x2;
	_ =	swait.ge @!p0 [sflag:s0], $0x2000  }
0x4f: {  	s4 =	sshll.u32 s31, $0x7;
	[sflag:s0] =	ssyncset.done @!p0 $0x0  }
0x50: {  	s12 =	sand.u32 $0x3FFFFF80, s4;
	[sflag:s0] =	ssyncadd.s32 @!p0 $0xFFFFE000  }
0x51: {  	[tilespmem:s19], [sflag:$0x1] =	stream.indirect.gather [hbm4b:s3+s11], $0x40, s12, s11, $0xb8;
	[tilespmem:$0xE400] =	vst v63  }
0x52: {  	_ =	swait.ge [sflag:s18], $0x2000  }
0x53: {  	[sflag:s18] =	ssyncset.done $0x0  }
0x54: {  	s2 =	sadd.s32 $0x10000, s1;
	[sflag:s18] =	ssyncadd.s32 $0xFFFFE000  }
0x55: {  	[hbm4b:s2+s17] =	stream.strided.scatter [tilespmem:s15], [sflag:$0x4], $0x2000, s11, s17, $0x38;
	[tilespmem:$0xE400] =	vst v63  }
0x56: {  	s4 =	sadd.s32 $0x8, s1;
	s0 =	simm.s32 @!p0 $0x6  }
0x57: {  	[hbm4b:s4+s17] =	stream.strided.scatter [tilespmem:s15], [sflag:$0x4], $0x2000, s11, s17, $0x38;
	[tilespmem:$0xE400] =	vst v63  }
0x58: {  	_ =	swait.ge @!p0 [sflag:s0], $0x2000  }
0x59: {  	[sflag:s0] =	ssyncset.done @!p0 $0x0  }
0x5a: {  	[sflag:s0] =	ssyncadd.s32 @!p0 $0xFFFFE000  }
0x5b: {  	_ =	swait.ge @!p0 [sflag:s0], $0x2000  }
0x5c: {  	[sflag:s0] =	ssyncset.done @!p0 $0x0  }
0x5d: {  	[sflag:s0] =	ssyncadd.s32 @!p0 $0xFFFFE000;
	p0 =	sgt.u32 s31, $0xC6  }
0x5e: {  	[tilespmem:s20], [sflag:$0x2] =	stream.indirect.gather [hbm4b:s3+s11], $0x40, s26, s11, $0xb8;
	[tilespmem:$0xE400] =	vst v63  }
0x5f: {  	s0 =	sshll.u32 @!p0 s31, $0x10;
	_ =	swait.ge [sflag:s16], $0x2000  }
0x60: {  	s2 =	simm.s32 @!p0 $0x40;
	s12 =	simm.s32 @!p0 $0x80;
	[sflag:s16] =	ssyncset.done $0x0  }
0x61: {  	s4 =	simm.s32 @!p0 $0xA400;
	s0 =	sadd.s32 @!p0 s0, s6;
	[sflag:s16] =	ssyncadd.s32 $0xFFFFE000  }
0x62: {  	[hbm4b:s0+s2] =	stream.strided.scatter @!p0 [tilespmem:s4], [sflag:$0x5], $0x2000, s12, s2, $0x38;
	[tilespmem:$0xE400] =	vst v63  }
0x63: {  	p0 =	seq.s32 s30, $0x0  }
.Ltmp4:
0x64: {  	_ = 	snop;
	(pc) =	sbr.rel @p0 .LBB2_5-.Ltmp4, $3  }
0x65: {  	_ =	sdelay $0x1  }
0x66: {  	s12 =	sadd.s32 $0x10008, s1  }
0x67: {  	[hbm4b:s12+s17] =	stream.strided.scatter [tilespmem:s19], [sflag:$0x5], $0x2000, s11, s17, $0x38;
	[tilespmem:$0xE400] =	vst v63  }
0x68: {  	p0 =	seq.s32 s30, $0x31  }
.Ltmp5:
0x69: {  	_ = 	snop;
	(pc) =	sbr.rel @p0 .LBB2_6-.Ltmp5, $1  }
0x6a: {  	_ =	sdelay $0x3  }
.Ltmp6:
0x6b: {  	(pc) =	sbr.rel .LBB2_5-.Ltmp6, $4  }
0x6c: {  	_ = 	snop  }
0x6d: {  	_ =	swait.ge [sflag:s21], $0x2000  }
0x6e: {  	[sflag:s21] =	ssyncset.done $0x0  }
0x6f: {  	[sflag:s21] =	ssyncadd.s32 $0xFFFFE000  }
.LBB2_8:
0x70: {  	_ =	sfence.sel $0x180000  }
0x71: {  	[bflag:$0x0] =	sbarrier.arrive $0xFFFF  }
0x72: {  	_ =	strace $0x9000004A  }
0x73: {  	s0 =	stileid.u32;
	[bflag:$0x2] =	sbarrier.arrive $0xFFFF  }
0x74: {  	p0 =	sne.s32 s0, $0x0;
	s0 =	rddreg [dreg:$0x2]  }
0x75: {  	s0 =	sadd.s32 @!p0 $0x100000, s0  }
0x76: {  	[sflag:s0] =	ssyncadd.tile.s32 @!p0 $0x1;
	_ =	shalt  }
.Lfunc_end2:
_tile_overlayer_lowered:
.L_overlay_start_2:
0x77: {  	(tag) =	ssettag $0x2  }
0x78: {  	s0 =	rddreg [dreg:$0x0];
	s2 =	stileid.u32  }
0x79: {  	s1 =	rddreg [dreg:$0x1];
	p0 =	sne.s32 s2, $0x0  }
0x7a: {  	s3 =	rddreg [dreg:$0x2];
	[bflag:$0x3] =	sbarrier.arrive $0xFFFF;
	s2 =	simm.s32 @!p0 $0x1C07  }
0x7b: {  	[timem:s3], [sflag:s2] =	dma.local @!p0 [hbm:s0], s1  }
0x7c: {  	s0 =	simm.s32 @!p0 $0x7  }
0x7d: {  	_ =	swait.ge @!p0 [sflag:s0], s1  }
0x7e: {  	s1 =	ssub.s32 @!p0 $0x0, s1;
	[sflag:s0] =	ssyncset.done @!p0 $0x0  }
0x7f: {  	[sflag:s0] =	ssyncadd.s32 @!p0 s1  }
0x80: {  	[bflag:$0x3] =	sbarrier.arrive $0xFFFF  }
0x81: {  	_ =	shalt  }

// kernel: sparse-core-data-format-call.cloned.1.call-start
scs
called_computation_lowered:
.L_overlay_start_0:
0x0: {  	s2 =	sld [smem:$0x3FD9]  }
0x1: {  	s3 =	sld [smem:$0x3FFE];
	_ =	sdelay $0x1  }
0x2: {  	s1 =	srdreg.scid  }
0x3: {  	s0 =	sand.u32 $0x1, s1  }
0x4: {  	s18 =	sshll.u32 s0, $0xA;
	s2 =	sadd.s32 s3, s2  }
0x5: {  	s2 =	sadd.s32 s2, s18  }
0x6: {  	[smem:$0x3FC6] =	sst s2  }
0x7: {  	_ = 	snop  }
0x8: {  	s2 =	sld [smem:$0x3FC8];
	(tm) =	ssettm $0x1  }
0x9: {  	s19 =	sld [smem:$0x3FFB];
	_ =	sdelay $0x3  }
0xa: {  	_ =	strace s19  }
0xb: {  	s3 =	sld [smem:$0x3FFC];
	_ =	sdelay $0x3  }
0xc: {  	_ =	strace s3  }
0xd: {  	s3 =	sld [smem:$0x3FFD];
	_ =	sdelay $0x3  }
0xe: {  	_ =	strace s3  }
0xf: {  	_ =	strace $0x8FFFFFFF  }
0x10: {  	s20 =	sld [smem:$0x3FDB];
	_ =	sdelay $0x1  }
0x11: {  	s4 =	simm.s32 $_scs_section_size  }
0x12: {  	s5 =	simm.s32 $_size__tile_overlayer_lowered;
	s6 =	simm.s32 $_tile_overlayer_lowered  }
0x13: {  	s23 =	simm.s32 $0x1BFF;
	s22 =	sshll.u32 s6, $0x1;
	s3 =	sadd.s32 s4, s20  }
0x14: {  	s7 =	simm.s32 $0x0;
	s21 =	sshll.u32 s5, $0x1;
	s5 =	sadd.s32 s22, s3  }
0x15: {  	[timem:s7], [sflag:s23] =	dma.local [hbm:s5], s21  }
0x16: {  	_ =	swait.ge [sflag:s23], s21  }
0x17: {  	s4 =	ssub.s32 $0x0, s21;
	[sflag:s23] =	ssyncset.done $0x0  }
0x18: {  	[sflag:s23] =	ssyncadd.s32 s4;
	_ =	sdelay $0x1  }
0x19: {  	s24 =	simm.s32 $0x1B8B  }
0x1a: {  	_ =	swait.ge [sflag:s24], $0x1  }
0x1b: {  	[sflag:s24] =	ssyncset.done $0x0  }
0x1c: {  	s26 =	simm.s32 $0x1B8E;
	s25 =	sld [smem:$0x3FFE];
	[sflag:s24] =	ssyncadd.s32 $0xFFFFFFFF  }
0x1d: {  	s27 =	simm.s32 $execute0_lowered;
	[smem:$0x3FD2] =	sst s26  }
0x1e: {  	s5 =	sshll.u32 s27, $0x1;
	_ =	strace $0x80000046;
	[dreg:$0x1] =	wrdreg $0xFFFFFFFF  }
0x1f: {  	s28 =	simm.s32 $_size_execute0_lowered;
	s3 =	sadd.s32 s3, s5;
	[dreg:$0x0] =	wrdreg $0x0  }
0x20: {  	s5 =	sshll.u32 s28, $0x1;
	[dreg:$0x2] =	wrdreg s3  }
0x21: {  	[dreg:$0x3] =	wrdreg s5  }
0x22: {  	[dreg:$0x4] =	wrdreg $0xC0  }
0x23: {  	_ =	task [dreg:s7], $0x5FFFF  }
0x24: {  	[dreg:$0x1] =	wrdreg $0xFFFFFFFF  }
0x25: {  	[dreg:$0x0] =	wrdreg $0x60  }
0x26: {  	[dreg:$0x2] =	wrdreg s2  }
0x27: {  	[dreg:$0x3] =	wrdreg s25  }
0x28: {  	[dreg:$0x4] =	wrdreg $0x9  }
0x29: {  	_ =	task.clear_ibuf [dreg:s7], $0x5FFFF;
	_ =	strace $0x90000046  }
0x2a: {  	s29 =	simm.s32 $0x9;
	_ =	strace $0x80000048  }
0x2b: {  	_ =	swait.ge [sflag:s29], $0x1  }
0x2c: {  	[sflag:s29] =	ssyncadd.s32 $0xFFFFFFFF  }
0x2d: {  	_ =	strace $0x90000048  }
0x2e: {  	_ =	sfence  }
0x2f: {  	s30 =	sld [smem:$0x0];
	_ =	sdelay $0x2  }
0x30: {  	s31 =	sshll.u32 s1, $0xD;
	s1 =	sshrl.u32 s1, $0x2  }
0x31: {  	s3 =	sand.u32 $0x4000, s31;
	s1 =	sadd.s32 s1, s30  }
0x32: {  	s0 =	sor.u32 s3, s0;
	s1 =	sshll.u32 s1, $0x11  }
0x33: {  	s0 =	sor.u32 s1, s0  }
0x34: {  	s0 =	sadd.s32 $0x8F2B, s0  }
0x35: {  	[sflag:s0] =	ssyncadd.remote.s32 $0x1  }
0x36: {  	_ =	sfence.sel $0xFFFF  }
0x37: {  	[dreg:$0x0] =	wrdreg $0xFFFFFFFF;
	(pc) =	sbr.abs _section_cstart, $3  }
0x38: {  	[dreg:$0x1] =	wrdreg $0xFFFFFFFF  }
0x39: {  	_ =	task.clear_ibuf [dreg:s7], $0x2FFFF;
	_ =	strace $0x9FFFFFFF  }
0x3a: {  	(tm) =	ssettm $0x7FFFFFFF  }
0x3b: {  	_ =	shalt  }
tec
execute0_lowered:
.L_overlay_start_1:
0x0: {  	(tag) =	ssettag $0x1  }
0x1: {  	s0 =	srdreg.scid;
	s2 =	rddreg [dreg:$0x0]  }
0x2: {  	s5 =	rddreg [dreg:$0x1];
	s1 =	stileid.u32  }
0x3: {  	s4 =	simm.s32 $0x1;
	s6 =	simm.s32 $0x2;
	s15 =	simm.s32 $0x0  }
0x4: {  	p0 =	por $0x0, $0x0;
	s8 =	simm.s32 $0x80;
	s0 =	sshll.u32 s0, $0x4  }
0x5: {  	s14 =	simm.s32 $0x0;
	s9 =	simm.s32 $0x0;
	s3 =	sand.u32 $0x10, s0  }
.Ltmp0:
0x6: {  	s10 =	simm.s32 $0x0;
	s3 =	sor.u32 s1, s3;
	(pc) =	sbr.rel .LBB1_1-.Ltmp0, $4  }
0x7: {  	s0 =	rddreg [dreg:$0x2];
	_ =	strace $0x80000047;
	s3 =	sshll.u32 s3, $0x7  }
0x8: {  	s12 =	simm.s32 $0x0;
	[sflag:s4] =	ssyncpa.u1 $0x0;
	s7 =	ssub.s32 $0xF4200, s3  }
0x9: {  	s13 =	simm.s32 $0x0;
	[sflag:s6] =	ssyncpa.u1 $0x0;
	s6 =	sshrl.u32 s7, $0xC  }
0xa: {  	s5 =	sadd.s32 $0xA00, s5;
	s11 =	smov.u32 s3;
	s7 =	sadd.s32 $0x2, s6  }
.LBB1_5:
0xb: {  	p1 =	slt.u32 s13, $0x2  }
0xc: {  	s17 =	smov.u32 s15;
	p2 =	sgt.s32 @!p1 s15, $0xF41C0;
	s16 =	sshra.s32 @!p1 s15, $0x1F  }
0xd: {  	p3 =	sgt.s32 @!p1 s14, $0x40;
	s18 =	sshra.s32 @!p1 s14, $0x1F;
	p2 =	por !p2, p1  }
0xe: {  	s15 =	sand.u32 @!p1 s16, s15;
	p3 =	por !p3, p1;
	s16 =	smov.u32 s14  }
0xf: {  	s14 =	sand.u32 @!p1 s18, s14;
	s17 =	simm.s32 @p2 $0xF41C0;
	s16 =	simm.s32 @p3 $0x40  }
0x10: {  	s15 =	ssub.s32 @!p1 s17, s15;
	s14 =	ssub.s32 @!p1 s16, s14  }
0x11: {  	s18 =	smov.u32 s12;
	s16 =	sadd.s32 @!p1 $0xFFF0BE40, s15;
	s17 =	sadd.s32 @!p1 $0xFFFFFFC0, s14  }
0x12: {  	s15 =	ssub.s32 @!p1 $0xF4240, s15;
	p2 =	sgt.s32 @!p1 s16, $0x7F;
	p3 =	sgt.s32 @!p1 s17, $0x3F  }
0x13: {  	s14 =	ssub.s32 @!p1 $0x80, s14;
	p2 =	por !p2, p1;
	p3 =	por !p3, p1  }
0x14: {  	s16 =	sadd.s32 $0x1000, s11;
	s15 =	simm.s32 @!p2 $0x0;
	s14 =	simm.s32 @!p3 $0x0  }
0x15: {  	p2 =	sgt.s32 s16, $0xF423F;
	s14 =	smul.u32 @!p1 s14, s15;
	s15 =	sadd.s32 $0x40, s12  }
0x16: {  	s18 =	smov.u32 @p2 s15  }
0x17: {  	s16 =	smov.u32 @p2 s3;
	p2 =	sgt.s32 s18, $0x3F  }
0x18: {  	s18 =	simm.s32 @p2 $0x0;
	p2 =	sne.s32 s13, s7  }
.Ltmp1:
0x19: {  	p0 =	por !p0, !p0;
	s17 =	simm.s32 @!p1 $0x2;
	(pc) =	sbr.rel @!p2 .LBB1_6-.Ltmp1, $4  }
0x1a: {  	s15 =	smov.u32 s9;
	s9 =	smov.u32 s11;
	s14 =	sand.u32 @!p1 $0x3FFFFFFF, s14  }
0x1b: {  	s11 =	smov.u32 s16;
	_ =	swait.ge @!p1 [sflag:s17], s14;
	s19 =	ssub.s32 @!p1 $0x0, s14  }
0x1c: {  	s14 =	smov.u32 s10;
	s13 =	sadd.s32 $0x1, s13;
	[sflag:s17] =	ssyncset.done @!p1 $0x0  }
0x1d: {  	s10 =	smov.u32 s12;
	s12 =	smov.u32 s18;
	[sflag:s17] =	ssyncadd.s32 @!p1 s19  }
.LBB1_1:
0x1e: {  	p1 =	sgt.u32 s13, s6  }
0x1f: {  	s16 =	sshrl.u32 @!p1 s12, $0x3  }
0x20: {  	s17 =	sshll.u32 @!p1 s11, $0x3;
	s16 =	smul.u32 @!p1 $0x7A1400, s16  }
0x21: {  	s18 =	sshll.u32 @!p1 s12, $0x7;
	s17 =	sand.u32 @!p1 $0xFFFFFC00, s17  }
0x22: {  	s16 =	sadd.s32 @!p1 s16, s17;
	s17 =	sand.u32 @!p1 $0x380, s18  }
0x23: {  	s18 =	sand.u32 @!p1 $0x7F, s11;
	s16 =	sor.u32 @!p1 s17, s16  }
0x24: {  	s17 =	sor.u32 @!p1 s18, s16  }
0x25: {  	s18 =	smulhi.u32 @!p1 $0x218D6287, s17;
	_ =	sdelay $0x1  }
0x26: {  	s16 =	smulhi.u32 @!p1 $0x218D6287, s16;
	s18 =	sshrl.u32 @!p1 s18, $0x11  }
0x27: {  	s18 =	smul.u32 @!p1 $0xF4280, s18  }
0x28: {  	s19 =	sxor.u32 @!p1 $0xFFFFFFFF, s13;
	s16 =	sshrl.u32 @!p1 s16, $0x11  }
0x29: {  	s19 =	sshll.u32 @!p1 s19, $0xD;
	s16 =	sand.u32 @!p1 $0x3F, s16;
	s17 =	ssub.s32 @!p1 s17, s18  }
0x2a: {  	s16 =	smul.u32 @!p1 $0x1E850, s16;
	s18 =	sshrl.u32 @!p1 s17, $0x3;
	s17 =	sand.u32 @!p1 $0x7, s17  }
0x2b: {  	s19 =	sand.u32 @!p1 $0x2000, s19;
	s18 =	sadd.s32 @!p1 s2, s18;
	s17 =	sshll.u32 @!p1 s17, $0x12  }
0x2c: {  	s16 =	sadd.s32 @!p1 s16, s18;
	s17 =	sor.u32 @!p1 $0x400, s17;
	s18 =	simm.s32 @!p1 $0x7A1400  }
0x2d: {  	[tilespmem:s19], [sflag:$0x1] =	stream.strided.gather @!p1 [hbm4b:s16+s17], $0x2000, s18, s17, $0x38;
	[tilespmem:$0x8100] =	vst v63  }
0x2e: {  	p1 =	seq.s32 s13, $0x0  }
0x2f: {  	p2 =	sge.u32 @!p1 s13, s7  }
0x30: {  	p1 =	por p1, p2  }
.Ltmp2:
0x31: {  	_ = 	snop;
	(pc) =	sbr.rel @p1 .LBB1_5-.Ltmp2, $1  }
0x32: {  	_ =	sdelay $0x3  }
0x33: {  	s16 =	simm.s32 $0x1  }
0x34: {  	_ =	swait.ge [sflag:s4], $0x2000;
	s16 =	simm.s32 @!p0 $0x0  }
0x35: {  	[sflag:s4] =	ssyncset.done $0x0;
	s17 =	sshll.u32 s16, $0xD  }
0x36: {  	[sflag:s4] =	ssyncadd.s32 $0xFFFFE000;
	s17 =	sor.u32 $0x40, s17  }
0x37: {  	s16 =	smul.u32 $0x8200, s16;
	v0 =	vld [tilespmem:s17+$0x30]  }
0x38: {  	v1 =	vld [tilespmem:s17+$0xFFFFFFD0]  }
0x39: {  	s16 =	sshrl.u32 s16, $0x2;
	v5 =	vld [tilespmem:s17+$0xFFFFFFE0]  }
0x3a: {  	v6 =	vld [tilespmem:s17+$0xFFFFFFF0];
	s19 =	sor.u32 $0x4000, s16  }
0x3b: {  	s31 =	sand.u32 $0x1, s13;
	v4 =	vld [tilespmem:s17+$0x0];
	s18 =	sadd.s32 $0x0, s19  }
0x3c: {  	v3 =	vld [tilespmem:s17+$0x10];
	s16 =	smul.u32 $0x8200, s31;
	[tilespmem:s18+$0x1C70 ss:$0x41] =	vst.msk $0xffff, v0  }
0x3d: {  	v2 =	vld [tilespmem:s17+$0x20];
	[tilespmem:s18+$0x410 ss:$0x41] =	vst.msk $0xffff, v1  }
0x3e: {  	s16 =	sshrl.u32 s16, $0x2;
	v1 =	vld [tilespmem:s17+$0xFFFFFFC0];
	[tilespmem:s18+$0x820 ss:$0x41] =	vst.msk $0xffff, v5;
	s17 =	sadd.s32 $0x80, s17  }
0x3f: {  	s20 =	simm.s32 $0x4;
	s21 =	simm.s32 $0x8;
	s16 =	sor.u32 $0x4000, s16;
	[tilespmem:s18+$0xC30 ss:$0x41] =	vst.msk $0xffff, v6;
	v0 =	vld [tilespmem:s17+$0x30]  }
.LBB1_3:
0x40: {  	p1 =	sne.s32 s21, $0xFC;
	v5 =	vld [tilespmem:s17+$0xFFFFFFD0];
	[tilespmem:s18+$0x1040 ss:$0x41] =	vst.msk $0xffff, v4  }
0x41: {  	v6 =	vld [tilespmem:s17+$0xFFFFFFE0];
	[tilespmem:s18+$0x1450 ss:$0x41] =	vst.msk $0xffff, v3  }
0x42: {  	s22 =	sshra.s32 s20, $0x2;
	s20 =	smov.u32 s21;
	v7 =	vld [tilespmem:s17+$0xFFFFFFF0];
	[tilespmem:s18+$0x1860 ss:$0x41] =	vst.msk $0xffff, v2  }
.Ltmp3:
0x43: {  	v4 =	vld [tilespmem:s17+$0x0];
	[tilespmem:s18+$0x0 ss:$0x41] =	vst.msk $0xffff, v1;
	s18 =	sadd.s32 s22, s19;
	(pc) =	sbr.rel @p1 .LBB1_3-.Ltmp3, $4  }
0x44: {  	v3 =	vld [tilespmem:s17+$0x10];
	[tilespmem:s18+$0x1C70 ss:$0x41] =	vst.msk $0xffff, v0  }
0x45: {  	[tilespmem:s18+$0x410 ss:$0x41] =	vst.msk $0xffff, v5;
	v2 =	vld [tilespmem:s17+$0x20]  }
0x46: {  	v1 =	vld [tilespmem:s17+$0xFFFFFFC0];
	[tilespmem:s18+$0x820 ss:$0x41] =	vst.msk $0xffff, v6;
	s17 =	sadd.s32 $0x80, s17  }
0x47: {  	s21 =	sadd.s32 $0x4, s21;
	v0 =	vld [tilespmem:s17+$0x30];
	[tilespmem:s18+$0xC30 ss:$0x41] =	vst.msk $0xffff, v7  }
0x48: {  	s21 =	sshll.u32 s9, $0x7;
	s22 =	sshll.u32 s10, $0x3;
	s20 =	sshra.s32 s20, $0x2  }
0x49: {  	p1 =	sgt.s32 s9, $0xF41C0;
	s30 =	sshra.s32 s9, $0x1F;
	s25 =	sshra.s32 s10, $0x1F  }
0x4a: {  	v5 =	vld [tilespmem:s17+$0xFFFFFFD0];
	s28 =	sshrl.u32 s10, $0x3;
	s23 =	sand.u32 $0xFFFFFC00, s21;
	s22 =	sand.u32 $0xFFFFFC00, s22  }
0x4b: {  	[tilespmem:s18+$0x1040 ss:$0x41] =	vst.msk $0xffff, v4;
	v58 =	vld [tilespmem:s17+$0xFFFFFFE0];
	s21 =	sand.u32 $0x380, s21;
	s19 =	sadd.s32 s20, s19;
	s22 =	sadd.s32 s22, s23  }
0x4c: {  	v59 =	vld [tilespmem:s17+$0xFFFFFFF0];
	[tilespmem:s18+$0x1450 ss:$0x41] =	vst.msk $0xffff, v3;
	s29 =	sor.u32 s21, s22;
	s21 =	smov.u32 s9;
	s22 =	sand.u32 s30, s9  }
0x4d: {  	v60 =	vld [tilespmem:s17+$0x0];
	[tilespmem:s18+$0x1860 ss:$0x41] =	vst.msk $0xffff, v2;
	s30 =	sand.u32 $0x7, s10;
	s20 =	sshrl.u32 s29, $0x7;
	s21 =	simm.s32 @!p1 $0xF41C0  }
0x4e: {  	v61 =	vld [tilespmem:s17+$0x10];
	[tilespmem:s18+$0x0 ss:$0x41] =	vst.msk $0xffff, v1;
	p1 =	sgt.s32 s10, $0x40;
	s24 =	ssub.s32 s21, s22;
	s21 =	smov.u32 s10  }
0x4f: {  	v62 =	vld [tilespmem:s17+$0x20];
	[tilespmem:s19+$0x1C70 ss:$0x41] =	vst.msk $0xffff, v0;
	s31 =	smulhi.u32 $0x218DEF5, s20;
	s22 =	sand.u32 s25, s10;
	s21 =	simm.s32 @!p1 $0x40  }
0x50: {  	v63 =	vld [tilespmem:s17+$0xFFFFFFC0];
	[tilespmem:s19+$0x410 ss:$0x41] =	vst.msk $0xffff, v5;
	s26 =	sadd.s32 $0xFFF0BE40, s24;
	s17 =	ssub.s32 $0xF4240, s24;
	s21 =	ssub.s32 s21, s22  }
0x51: {  	[tilespmem:s19+$0x820 ss:$0x41] =	vst.msk $0xffff, v58;
	s23 =	sshrl.u32 s31, $0xD;
	p1 =	sgt.s32 s26, $0x7F;
	s27 =	sadd.s32 $0xFFFFFFC0, s21  }
0x52: {  	[tilespmem:s19+$0xC30 ss:$0x41] =	vst.msk $0xffff, v59;
	s23 =	smul.u32 $0xF4240, s23;
	s18 =	ssub.s32 $0x80, s21;
	p2 =	sgt.s32 s27, $0x3F  }
.Ltmp4:
0x53: {  	[tilespmem:s19+$0x1040 ss:$0x41] =	vst.msk $0xffff, v60;
	s17 =	simm.s32 @p1 $0x0;
	s18 =	simm.s32 @p2 $0x0;
	(pc) =	sbr.rel .LBB1_5-.Ltmp4, $4  }
0x54: {  	s29 =	sand.u32 $0xF, s28;
	[tilespmem:s19+$0x1450 ss:$0x41] =	vst.msk $0xffff, v61;
	s20 =	ssub.s32 s20, s23;
	s17 =	smul.u32 s18, s17  }
0x55: {  	[tilespmem:s19+$0x1860 ss:$0x41] =	vst.msk $0xffff, v62;
	s21 =	sshll.u32 s30, $0x12;
	s20 =	sshll.u32 s20, $0x4;
	s18 =	sadd.s32 s5, s29  }
0x56: {  	[tilespmem:s19+$0x0 ss:$0x41] =	vst.msk $0xffff, v63;
	s31 =	sor.u32 $0x40, s21;
	s18 =	sadd.s32 s20, s18;
	s17 =	sand.u32 $0x3FFFFFFF, s17  }
0x57: {  	[hbm4b:s18+s31] =	stream.strided.scatter [tilespmem:s16], [sflag:$0x2], s17, s8, s31, $0x18;
	[tilespmem:$0x8100] =	vst v63  }
.LBB1_6:
0x58: {  	_ =	sfence.sel $0x180000  }
0x59: {  	s2 =	simm.s32 $0x1;
	[bflag:$0x0] =	sbarrier.arrive $0xFFFF  }
0x5a: {  	s31 =	simm.s32 $0x2;
	[sflag:s2] =	ssyncpa.u1 $0x1  }
0x5b: {  	[sflag:s31] =	ssyncpa.u1 $0x1  }
0x5c: {  	p0 =	sne.s32 s1, $0x0;
	_ =	strace $0x90000047  }
0x5d: {  	s0 =	sadd.s32 @!p0 $0x100000, s0;
	[bflag:$0x2] =	sbarrier.arrive $0xFFFF  }
0x5e: {  	[sflag:s0] =	ssyncadd.tile.s32 @!p0 $0x1;
	_ =	shalt  }
.Lfunc_end1:
_tile_overlayer_lowered:
.L_overlay_start_2:
0x5f: {  	(tag) =	ssettag $0x2  }
0x60: {  	s0 =	rddreg [dreg:$0x0];
	s2 =	stileid.u32  }
0x61: {  	s1 =	rddreg [dreg:$0x1];
	p0 =	sne.s32 s2, $0x0  }
0x62: {  	s3 =	rddreg [dreg:$0x2];
	[bflag:$0x3] =	sbarrier.arrive $0xFFFF;
	s2 =	simm.s32 @!p0 $0x1C01  }
0x63: {  	[timem:s3], [sflag:s2] =	dma.local @!p0 [hbm:s0], s1  }
0x64: {  	s0 =	simm.s32 @!p0 $0x1  }
0x65: {  	_ =	swait.ge @!p0 [sflag:s0], s1  }
0x66: {  	s1 =	ssub.s32 @!p0 $0x0, s1;
	[sflag:s0] =	ssyncset.done @!p0 $0x0  }
0x67: {  	[sflag:s0] =	ssyncadd.s32 @!p0 s1  }
0x68: {  	[bflag:$0x3] =	sbarrier.arrive $0xFFFF  }
0x69: {  	_ =	shalt  }

</sc_bundles>
